<compile_context>
chip_gen: v7x
topology: tpu7x:2x2x1
jax: 0.10.2.dev20260603
libtpu: 0.0.44.dev20260713+nightly
codegen_flags: <defaults>
</compile_context>

<pallas_src>
import functools

import jax
import jax.numpy as jnp
from jax import lax
from jax.experimental import pallas as pl
from jax.experimental.pallas import tpu as pltpu
from jax.experimental.pallas import tpu_sc as plsc

B, L, H, W, C = 2, 4, 128, 128, 256
N = 1000
CS = 7
M = B * N * CS * CS
LANES = 16
NC, NS = 2, 16
NW = NC * NS
CH = 16
TOT_CH = M // CH
CPW = -(-TOT_CH // NW)
ROWS_W = CPW * CH
M_PAD = NW * ROWS_W
HC = C // 128
G = 4 * HC

_STRIDES = (4.0, 8.0, 16.0, 32.0)


def _sample_grid(rois):
    x1, y1, x2, y2 = rois[..., 0], rois[..., 1], rois[..., 2], rois[..., 3]
    roi_area = (y2 - y1) * (x2 - x1)
    lv = (jnp.log(jnp.sqrt(jnp.maximum(roi_area, 1e-12)) / 224.0)
          / jnp.log(2.0) + 4.0)
    li = jnp.clip(jnp.round(lv).astype(jnp.int32), 2, 5) - 2
    strides = jnp.asarray(_STRIDES, dtype=jnp.float32)[li]
    Hf = jnp.float32(H)
    Wf = jnp.float32(W)
    nx1 = x1 / strides / Wf
    ny1 = y1 / strides / Hf
    nx2 = x2 / strides / Wf
    ny2 = y2 / strides / Hf
    i = jnp.arange(CS, dtype=jnp.float32)
    ys = (ny1[..., None] * (Hf - 1.0)
          + i[None, None, :] * ((ny2 - ny1)[..., None] * (Hf - 1.0) / (CS - 1)))
    xs = (nx1[..., None] * (Wf - 1.0)
          + i[None, None, :] * ((nx2 - nx1)[..., None] * (Wf - 1.0) / (CS - 1)))
    yy = jnp.broadcast_to(ys[:, :, :, None], (B, N, CS, CS))
    xx = jnp.broadcast_to(xs[:, :, None, :], (B, N, CS, CS))
    yy = yy.reshape(B, N, CS * CS)
    xx = xx.reshape(B, N, CS * CS)
    return yy, xx, li[:, :, None]


def _prep_body(yy_ref, xx_ref, li_ref, idx_ref, w_ref):
    Hf = jnp.float32(H)
    Wf = jnp.float32(W)
    for b in range(B):
        yy = yy_ref[b]
        xx = xx_ref[b]
        li = li_ref[b]
        valid = (yy >= 0.0) & (yy <= Hf - 1.0) & (xx >= 0.0) & (xx <= Wf - 1.0)
        y0 = jnp.floor(yy)
        x0 = jnp.floor(xx)
        wy = yy - y0
        wx = xx - x0
        y0i = jnp.clip(y0.astype(jnp.int32), 0, H - 1)
        x0i = jnp.clip(x0.astype(jnp.int32), 0, W - 1)
        y1i = jnp.minimum(y0i + 1, H - 1)
        x1i = jnp.minimum(x0i + 1, W - 1)
        base = li * (H * W) + b * (L * H * W)
        r0 = base + y0i * W
        r1 = base + y1i * W
        vf = valid.astype(jnp.float32)
        wx0 = 1.0 - wx
        wy0 = 1.0 - wy
        for k, rid in enumerate((r0 + x0i, r0 + x1i, r1 + x0i, r1 + x1i)):
            idx_ref[b, k] = rid
        w_ref[b, 0] = wx0 * wy0 * vf
        w_ref[b, 1] = wx * wy0 * vf
        w_ref[b, 2] = wx0 * wy * vf
        w_ref[b, 3] = wx * wy * vf


_prep_call = pl.pallas_call(
    _prep_body,
    out_shape=(
        jax.ShapeDtypeStruct((B, 4, N, CS * CS), jnp.int32),
        jax.ShapeDtypeStruct((B, 4, N, CS * CS), jnp.float32),
    ),
)


NB = 40


def _repack_body(in_ref, out_ref):
    out_ref[...] = in_ref[...].reshape(1, NB, CS, CS, C)


_repack_call = pl.pallas_call(
    _repack_body,
    grid=(B, N // NB),
    in_specs=[pl.BlockSpec((NB * CS * CS, C),
                           lambda b, nb: (b * (N // NB) + nb, 0))],
    out_specs=pl.BlockSpec((1, NB, CS, CS, C),
                           lambda b, nb: (b, nb, 0, 0, 0)),
    out_shape=jax.ShapeDtypeStruct((B, N, CS, CS, C), jnp.float32),
)


def _sc_body(table, idxf, wf, out, idx_v, w_v,
             gbuf0, gbuf1, obuf0, obuf1, gsem0, gsem1, osem0, osem1):
    cid = lax.axis_index("c")
    sid = lax.axis_index("s")
    wid = sid * NC + cid
    base = wid * ROWS_W
    nch = jnp.minimum(CPW, TOT_CH - CPW * wid)
    for k in range(4):
        pltpu.sync_copy(idxf.at[pl.ds(k * M_PAD + base, ROWS_W)],
                        idx_v.at[k])
    for k in range(4):
        pltpu.sync_copy(wf.at[pl.ds(k * M_PAD + base, ROWS_W)],
                        w_v.at[pl.ds(k * ROWS_W, ROWS_W)])

    gbufs = (gbuf0, gbuf1)
    gsems = (gsem0, gsem1)
    obufs = (obuf0, obuf1)
    osems = (osem0, osem1)

    def out_copy(c, b):
        return pltpu.make_async_copy(
            obufs[b], out.at[pl.ds(base + c * CH, CH)], osems[b])

    def gather_copies(c, b):
        return [pltpu.make_async_copy(
            table.at[idx_v.at[k, pl.ds(c * CH, CH)]],
            gbufs[b].at[pl.ds(k * CH, CH)], gsems[b]) for k in range(4)]

    @pl.when(nch > 0)
    def _():
        for cp in gather_copies(0, 0):
            cp.start()

    def pair(g, carry):
        for b in range(2):
            c = 2 * g + b

            @pl.when(c < nch)
            def _(c=c, b=b):
                @pl.when(c + 1 < nch)
                def _():
                    for cp in gather_copies(c + 1, 1 - b):
                        cp.start()

                gbuf = gbufs[b]
                obuf = obufs[b]
                for cp in gather_copies(c, b):
                    cp.wait()

                @pl.when(c >= 2)
                def _():
                    out_copy(c - 2, b).wait()

                wchunk = [w_v[pl.ds(k * ROWS_W + c * CH, LANES)]
                          for k in range(4)]

                def row(r, carry2):
                    lane = jnp.full((LANES,), r, jnp.int32)
                    wvs = [wc.at[lane].get(mode="promise_in_bounds")
                           for wc in wchunk]

                    def vec(v, carry3):
                        col = pl.ds(v * LANES, LANES)
                        acc = gbuf[r, col] * wvs[0]
                        for k in range(1, 4):
                            acc = acc + gbuf[k * CH + r, col] * wvs[k]
                        obuf[r, col] = acc
                        return carry3

                    lax.fori_loop(0, C // LANES, vec, 0)
                    return carry2

                lax.fori_loop(0, CH, row, 0)
                out_copy(c, b).start()
        return carry

    lax.fori_loop(0, (CPW + 1) // 2, pair, 0)

    for b in range(2):
        @pl.when(nch > b)
        def _(b=b):
            out_copy(0, b).wait()


@functools.cache
def _sc_call():
    return pl.kernel(
        _sc_body,
        out_type=jax.ShapeDtypeStruct((M, C), jnp.float32),
        mesh=plsc.VectorSubcoreMesh(core_axis_name="c", subcore_axis_name="s"),
        scratch_types=[
            pltpu.VMEM((4, ROWS_W), jnp.int32),
            pltpu.VMEM((4 * ROWS_W,), jnp.float32),
            pltpu.VMEM((CH * 4, C), jnp.float32),
            pltpu.VMEM((CH * 4, C), jnp.float32),
            pltpu.VMEM((CH, C), jnp.float32),
            pltpu.VMEM((CH, C), jnp.float32),
            pltpu.SemaphoreType.DMA,
            pltpu.SemaphoreType.DMA,
            pltpu.SemaphoreType.DMA,
            pltpu.SemaphoreType.DMA,
        ],
    )


def kernel(feature_maps, rois):
    yy, xx, li = _sample_grid(rois)
    idx_p, w_p = _prep_call(yy, xx, li)
    idx_t = idx_p.transpose(1, 0, 2, 3).reshape(4, M)
    w_t = w_p.transpose(1, 0, 2, 3).reshape(4, M)
    idx_f = jnp.pad(idx_t, ((0, 0), (0, M_PAD - M))).reshape(-1)
    w_f = jnp.pad(w_t, ((0, 0), (0, M_PAD - M))).reshape(-1)
    table = feature_maps.reshape(B * L * H * W, C)
    out = _sc_call()(table, idx_f, w_f)
    return _repack_call(out)

# --- scband reference (transcript-rebuilt; emitter-appended) ---
"""Pipeline reference for scband-roialign-25589415149604 (READ-ONLY COPY).

The authoritative reference and input builder live on the scoring server;
editing this copy changes nothing except your own understanding.
"""

import jax, jax.numpy as jnp
import numpy as np

OUTPUT_SIZE = 7
STRIDES = np.array([4.0, 8.0, 16.0, 32.0], dtype=np.float32)


def setup_inputs(seed: int = 0) -> dict:
    key = jax.random.key(seed)
    k1, k2, k3 = jax.random.split(key, 3)
    B, L, H, W, C = 2, 4, 128, 128, 256
    N = 1000
    feature_maps = jax.random.normal(k1, (B, L, H, W, C), dtype=jnp.float32)
    # rois in image pixel coords (image ~512x512 = stride4 * 128)
    xy = jax.random.uniform(k2, (B, N, 2), minval=0.0, maxval=480.0)
    wh = jax.random.uniform(k3, (B, N, 2), minval=8.0, maxval=400.0)
    x1 = xy[..., 0]
    y1 = xy[..., 1]
    x2 = jnp.minimum(x1 + wh[..., 0], 512.0)
    y2 = jnp.minimum(y1 + wh[..., 1], 512.0)
    rois = jnp.stack([x1, y1, x2, y2], axis=-1).astype(jnp.float32)
    return {"feature_maps": feature_maps, "rois": rois}


def _roi_align_image(fmaps, rois):
    # fmaps: [L, H, W, C] stacked pyramid levels; rois: [N, 4] = (x1, y1, x2, y2)
    L, H, W, C = fmaps.shape
    cs = OUTPUT_SIZE
    x1, y1, x2, y2 = rois[:, 0], rois[:, 1], rois[:, 2], rois[:, 3]
    roi_area = (y2 - y1) * (x2 - x1)
    roi_levels = jnp.log(jnp.sqrt(jnp.maximum(roi_area, 1e-12)) / 224.0) / jnp.log(2.0) + 4.0
    roi_levels = jnp.clip(jnp.round(roi_levels).astype(jnp.int32), 2, 5)
    li = roi_levels - 2  # level index into fmaps / STRIDES
    strides = jnp.asarray(STRIDES)[li]
    Hf = jnp.float32(H)
    Wf = jnp.float32(W)
    # normalized boxes, as in the TF layer (divide by stride then fm size)
    nx1 = x1 / strides / Wf
    ny1 = y1 / strides / Hf
    nx2 = x2 / strides / Wf
    ny2 = y2 / strides / Hf
    # tf.image.crop_and_resize bilinear sampling grid (crop_size > 1 branch)
    i = jnp.arange(cs, dtype=jnp.float32)
    ys = ny1[:, None] * (Hf - 1.0) + i[None, :] * ((ny2 - ny1)[:, None] * (Hf - 1.0) / (cs - 1))
    xs = nx1[:, None] * (Wf - 1.0) + i[None, :] * ((nx2 - nx1)[:, None] * (Wf - 1.0) / (cs - 1))
    yy, xx = jnp.broadcast_arrays(ys[:, :, None], xs[:, None, :])  # [N, cs, cs]
    valid = (yy >= 0.0) & (yy <= Hf - 1.0) & (xx >= 0.0) & (xx <= Wf - 1.0)
    y0 = jnp.floor(yy)
    x0 = jnp.floor(xx)
    wy = yy - y0
    wx = xx - x0
    y0i = jnp.clip(y0.astype(jnp.int32), 0, H - 1)
    x0i = jnp.clip(x0.astype(jnp.int32), 0, W - 1)
    y1i = jnp.clip(y0i + 1, 0, H - 1)
    x1i = jnp.clip(x0i + 1, 0, W - 1)
    lidx = li[:, None, None]  # broadcast level index per roi
    f00 = fmaps[lidx, y0i, x0i]
    f01 = fmaps[lidx, y0i, x1i]
    f10 = fmaps[lidx, y1i, x0i]
    f11 = fmaps[lidx, y1i, x1i]
    wxe = wx[..., None]
    wye = wy[..., None]
    top = f00 * (1.0 - wxe) + f01 * wxe
    bot = f10 * (1.0 - wxe) + f11 * wxe
    val = top * (1.0 - wye) + bot * wye
    # extrapolation_value = 0 for out-of-bounds sample points
    return jnp.where(valid[..., None], val, 0.0)


def reference(feature_maps, rois):
    # Output [B, N, output_size, output_size, C]; ROI order preserved
    # (matches the TF layer's argsort-back-to-original-order behavior).
    return jax.vmap(_roi_align_image)(feature_maps, rois)

if __name__ == "__main__":
    import jax
    _d = setup_inputs()
    print(jax.jit(kernel)(*tuple(_d.values())))

</pallas_src>

<mosaic_0001>
#map = affine_map<(d0, d1) -> (0, 0)>
#map1 = affine_map<(d0, d1) -> (0)>
module attributes {stable_mosaic.version = 14 : i64} {
  func.func @_sc_body(%arg0: i32, %arg1: i32, %arg2: memref<131072x256xf32, #tpu.memory_space<hbm>>, %arg3: memref<393216xi32, #tpu.memory_space<hbm>>, %arg4: memref<393216xf32, #tpu.memory_space<hbm>>, %arg5: memref<98000x256xf32, #tpu.memory_space<hbm>>, %arg6: memref<4x3072xi32, #tpu.memory_space<vmem>>, %arg7: memref<12288xf32, #tpu.memory_space<vmem>>, %arg8: memref<64x256xf32, #tpu.memory_space<vmem>>, %arg9: memref<64x256xf32, #tpu.memory_space<vmem>>, %arg10: memref<16x256xf32, #tpu.memory_space<vmem>>, %arg11: memref<16x256xf32, #tpu.memory_space<vmem>>, %arg12: memref<!tpu.dma_semaphore, #tpu.memory_space<semaphore_mem>>, %arg13: memref<!tpu.dma_semaphore, #tpu.memory_space<semaphore_mem>>, %arg14: memref<!tpu.dma_semaphore, #tpu.memory_space<semaphore_mem>>, %arg15: memref<!tpu.dma_semaphore, #tpu.memory_space<semaphore_mem>>) attributes {dimension_semantics = [#tpu.dimension_semantics<core_parallel>, #tpu.dimension_semantics<subcore_parallel>], iteration_bounds = array<i64: 2, 16>, scalar_prefetch = 0 : i64, scratch_operands = 10 : i64, tpu.core_type = #tpu.core_type<sc_vector_subcore>, window_params = [{transform_indices = #map}, {transform_indices = #map1}, {transform_indices = #map1}, {transform_indices = #map}]} {
    %mul3A = arith.constant 2 : i32
    %mul3A_0 = arith.muli %arg1, %mul3A : i32
    %add3A = arith.addi %mul3A_0, %arg0 : i32
    %mul3A_1 = arith.constant 3072 : i32
    %mul3A_2 = arith.muli %add3A, %mul3A_1 : i32
    %mul3A_3 = arith.constant 192 : i32
    %mul3A_4 = arith.muli %mul3A_3, %add3A : i32
    %sub3A = arith.constant 6125 : i32
    %sub3A_5 = arith.subi %sub3A, %mul3A_4 : i32
    %min3A = arith.constant 192 : i32
    %min3A_6 = arith.minsi %min3A, %sub3A_5 : i32
    %add3A_7 = arith.constant 0 : i32
    %add3A_8 = arith.addi %add3A_7, %mul3A_2 : i32
    %run_scoped3A = arith.constant 0 : i32
    "tpu.region"() ({
      %run_scoped3A_43 = tpu.sem_alloc : memref<!tpu.dma_semaphore, #tpu.memory_space<semaphore_mem>>
      %dma_start3A = arith.constant 0 : i32
      %dma_start3A_44 = tpu.memref_slice %arg6[%run_scoped3A, %dma_start3A] : memref<4x3072xi32, #tpu.memory_space<vmem>> -> memref<1x3072xi32, #tpu.memory_space<vmem>>
      %dma_start3A_45 = tpu.memref_squeeze %dma_start3A_44 : memref<1x3072xi32, #tpu.memory_space<vmem>> -> memref<3072xi32, #tpu.memory_space<vmem>>
      %dma_start3A_46 = tpu.memref_slice %arg3[%add3A_8] : memref<393216xi32, #tpu.memory_space<hbm>> -> memref<3072xi32, #tpu.memory_space<hbm>>
      %dma_start3A_47 = arith.constant 0 : i32
      %dma_start3A_48 = tpu.memref_slice %arg6[%run_scoped3A, %dma_start3A_47] : memref<4x3072xi32, #tpu.memory_space<vmem>> -> memref<1x3072xi32, #tpu.memory_space<vmem>>
      %dma_start3A_49 = tpu.memref_squeeze %dma_start3A_48 : memref<1x3072xi32, #tpu.memory_space<vmem>> -> memref<3072xi32, #tpu.memory_space<vmem>>
      %dma_start3A_50 = tpu.memref_slice %arg3[%add3A_8] : memref<393216xi32, #tpu.memory_space<hbm>> -> memref<3072xi32, #tpu.memory_space<hbm>>
      tpu.enqueue_dma source(%dma_start3A_50 : memref<3072xi32, #tpu.memory_space<hbm>>) target(%dma_start3A_49 : memref<3072xi32, #tpu.memory_space<vmem>>) target_semaphore(%run_scoped3A_43 : memref<!tpu.dma_semaphore, #tpu.memory_space<semaphore_mem>>)
      %dma_wait3A = arith.constant 0 : i32
      %dma_wait3A_51 = tpu.memref_slice %arg6[%run_scoped3A, %dma_wait3A] : memref<4x3072xi32, #tpu.memory_space<vmem>> -> memref<1x3072xi32, #tpu.memory_space<vmem>>
      %dma_wait3A_52 = tpu.memref_squeeze %dma_wait3A_51 : memref<1x3072xi32, #tpu.memory_space<vmem>> -> memref<3072xi32, #tpu.memory_space<vmem>>
      %dma_wait3A_53 = tpu.memref_slice %arg3[%add3A_8] : memref<393216xi32, #tpu.memory_space<hbm>> -> memref<3072xi32, #tpu.memory_space<hbm>>
      %dma_wait3A_54 = arith.constant 0 : i32
      %dma_wait3A_55 = tpu.memref_slice %arg6[%run_scoped3A, %dma_wait3A_54] : memref<4x3072xi32, #tpu.memory_space<vmem>> -> memref<1x3072xi32, #tpu.memory_space<vmem>>
      %dma_wait3A_56 = tpu.memref_squeeze %dma_wait3A_55 : memref<1x3072xi32, #tpu.memory_space<vmem>> -> memref<3072xi32, #tpu.memory_space<vmem>>
      %dma_wait3A_57 = tpu.memref_slice %arg3[%add3A_8] : memref<393216xi32, #tpu.memory_space<hbm>> -> memref<3072xi32, #tpu.memory_space<hbm>>
      tpu.wait_dma2 semaphore(%run_scoped3A_43 : memref<!tpu.dma_semaphore, #tpu.memory_space<semaphore_mem>>) src(%dma_wait3A_57 : memref<3072xi32, #tpu.memory_space<hbm>>) dst(%dma_wait3A_56 : memref<3072xi32, #tpu.memory_space<vmem>>)
      tpu.yield
    }) : () -> ()
    %add3A_9 = arith.constant 98304 : i32
    %add3A_10 = arith.addi %add3A_9, %mul3A_2 : i32
    %run_scoped3A_11 = arith.constant 1 : i32
    "tpu.region"() ({
      %run_scoped3A_43 = tpu.sem_alloc : memref<!tpu.dma_semaphore, #tpu.memory_space<semaphore_mem>>
      %dma_start3A = arith.constant 0 : i32
      %dma_start3A_44 = tpu.memref_slice %arg6[%run_scoped3A_11, %dma_start3A] : memref<4x3072xi32, #tpu.memory_space<vmem>> -> memref<1x3072xi32, #tpu.memory_space<vmem>>
      %dma_start3A_45 = tpu.memref_squeeze %dma_start3A_44 : memref<1x3072xi32, #tpu.memory_space<vmem>> -> memref<3072xi32, #tpu.memory_space<vmem>>
      %dma_start3A_46 = tpu.memref_slice %arg3[%add3A_10] : memref<393216xi32, #tpu.memory_space<hbm>> -> memref<3072xi32, #tpu.memory_space<hbm>>
      %dma_start3A_47 = arith.constant 0 : i32
      %dma_start3A_48 = tpu.memref_slice %arg6[%run_scoped3A_11, %dma_start3A_47] : memref<4x3072xi32, #tpu.memory_space<vmem>> -> memref<1x3072xi32, #tpu.memory_space<vmem>>
      %dma_start3A_49 = tpu.memref_squeeze %dma_start3A_48 : memref<1x3072xi32, #tpu.memory_space<vmem>> -> memref<3072xi32, #tpu.memory_space<vmem>>
      %dma_start3A_50 = tpu.memref_slice %arg3[%add3A_10] : memref<393216xi32, #tpu.memory_space<hbm>> -> memref<3072xi32, #tpu.memory_space<hbm>>
      tpu.enqueue_dma source(%dma_start3A_50 : memref<3072xi32, #tpu.memory_space<hbm>>) target(%dma_start3A_49 : memref<3072xi32, #tpu.memory_space<vmem>>) target_semaphore(%run_scoped3A_43 : memref<!tpu.dma_semaphore, #tpu.memory_space<semaphore_mem>>)
      %dma_wait3A = arith.constant 0 : i32
      %dma_wait3A_51 = tpu.memref_slice %arg6[%run_scoped3A_11, %dma_wait3A] : memref<4x3072xi32, #tpu.memory_space<vmem>> -> memref<1x3072xi32, #tpu.memory_space<vmem>>
      %dma_wait3A_52 = tpu.memref_squeeze %dma_wait3A_51 : memref<1x3072xi32, #tpu.memory_space<vmem>> -> memref<3072xi32, #tpu.memory_space<vmem>>
      %dma_wait3A_53 = tpu.memref_slice %arg3[%add3A_10] : memref<393216xi32, #tpu.memory_space<hbm>> -> memref<3072xi32, #tpu.memory_space<hbm>>
      %dma_wait3A_54 = arith.constant 0 : i32
      %dma_wait3A_55 = tpu.memref_slice %arg6[%run_scoped3A_11, %dma_wait3A_54] : memref<4x3072xi32, #tpu.memory_space<vmem>> -> memref<1x3072xi32, #tpu.memory_space<vmem>>
      %dma_wait3A_56 = tpu.memref_squeeze %dma_wait3A_55 : memref<1x3072xi32, #tpu.memory_space<vmem>> -> memref<3072xi32, #tpu.memory_space<vmem>>
      %dma_wait3A_57 = tpu.memref_slice %arg3[%add3A_10] : memref<393216xi32, #tpu.memory_space<hbm>> -> memref<3072xi32, #tpu.memory_space<hbm>>
      tpu.wait_dma2 semaphore(%run_scoped3A_43 : memref<!tpu.dma_semaphore, #tpu.memory_space<semaphore_mem>>) src(%dma_wait3A_57 : memref<3072xi32, #tpu.memory_space<hbm>>) dst(%dma_wait3A_56 : memref<3072xi32, #tpu.memory_space<vmem>>)
      tpu.yield
    }) : () -> ()
    %add3A_12 = arith.constant 196608 : i32
    %add3A_13 = arith.addi %add3A_12, %mul3A_2 : i32
    %run_scoped3A_14 = arith.constant 2 : i32
    "tpu.region"() ({
      %run_scoped3A_43 = tpu.sem_alloc : memref<!tpu.dma_semaphore, #tpu.memory_space<semaphore_mem>>
      %dma_start3A = arith.constant 0 : i32
      %dma_start3A_44 = tpu.memref_slice %arg6[%run_scoped3A_14, %dma_start3A] : memref<4x3072xi32, #tpu.memory_space<vmem>> -> memref<1x3072xi32, #tpu.memory_space<vmem>>
      %dma_start3A_45 = tpu.memref_squeeze %dma_start3A_44 : memref<1x3072xi32, #tpu.memory_space<vmem>> -> memref<3072xi32, #tpu.memory_space<vmem>>
      %dma_start3A_46 = tpu.memref_slice %arg3[%add3A_13] : memref<393216xi32, #tpu.memory_space<hbm>> -> memref<3072xi32, #tpu.memory_space<hbm>>
      %dma_start3A_47 = arith.constant 0 : i32
      %dma_start3A_48 = tpu.memref_slice %arg6[%run_scoped3A_14, %dma_start3A_47] : memref<4x3072xi32, #tpu.memory_space<vmem>> -> memref<1x3072xi32, #tpu.memory_space<vmem>>
      %dma_start3A_49 = tpu.memref_squeeze %dma_start3A_48 : memref<1x3072xi32, #tpu.memory_space<vmem>> -> memref<3072xi32, #tpu.memory_space<vmem>>
      %dma_start3A_50 = tpu.memref_slice %arg3[%add3A_13] : memref<393216xi32, #tpu.memory_space<hbm>> -> memref<3072xi32, #tpu.memory_space<hbm>>
      tpu.enqueue_dma source(%dma_start3A_50 : memref<3072xi32, #tpu.memory_space<hbm>>) target(%dma_start3A_49 : memref<3072xi32, #tpu.memory_space<vmem>>) target_semaphore(%run_scoped3A_43 : memref<!tpu.dma_semaphore, #tpu.memory_space<semaphore_mem>>)
      %dma_wait3A = arith.constant 0 : i32
      %dma_wait3A_51 = tpu.memref_slice %arg6[%run_scoped3A_14, %dma_wait3A] : memref<4x3072xi32, #tpu.memory_space<vmem>> -> memref<1x3072xi32, #tpu.memory_space<vmem>>
      %dma_wait3A_52 = tpu.memref_squeeze %dma_wait3A_51 : memref<1x3072xi32, #tpu.memory_space<vmem>> -> memref<3072xi32, #tpu.memory_space<vmem>>
      %dma_wait3A_53 = tpu.memref_slice %arg3[%add3A_13] : memref<393216xi32, #tpu.memory_space<hbm>> -> memref<3072xi32, #tpu.memory_space<hbm>>
      %dma_wait3A_54 = arith.constant 0 : i32
      %dma_wait3A_55 = tpu.memref_slice %arg6[%run_scoped3A_14, %dma_wait3A_54] : memref<4x3072xi32, #tpu.memory_space<vmem>> -> memref<1x3072xi32, #tpu.memory_space<vmem>>
      %dma_wait3A_56 = tpu.memref_squeeze %dma_wait3A_55 : memref<1x3072xi32, #tpu.memory_space<vmem>> -> memref<3072xi32, #tpu.memory_space<vmem>>
      %dma_wait3A_57 = tpu.memref_slice %arg3[%add3A_13] : memref<393216xi32, #tpu.memory_space<hbm>> -> memref<3072xi32, #tpu.memory_space<hbm>>
      tpu.wait_dma2 semaphore(%run_scoped3A_43 : memref<!tpu.dma_semaphore, #tpu.memory_space<semaphore_mem>>) src(%dma_wait3A_57 : memref<3072xi32, #tpu.memory_space<hbm>>) dst(%dma_wait3A_56 : memref<3072xi32, #tpu.memory_space<vmem>>)
      tpu.yield
    }) : () -> ()
    %add3A_15 = arith.constant 294912 : i32
    %add3A_16 = arith.addi %add3A_15, %mul3A_2 : i32
    %run_scoped3A_17 = arith.constant 3 : i32
    "tpu.region"() ({
      %run_scoped3A_43 = tpu.sem_alloc : memref<!tpu.dma_semaphore, #tpu.memory_space<semaphore_mem>>
      %dma_start3A = arith.constant 0 : i32
      %dma_start3A_44 = tpu.memref_slice %arg6[%run_scoped3A_17, %dma_start3A] : memref<4x3072xi32, #tpu.memory_space<vmem>> -> memref<1x3072xi32, #tpu.memory_space<vmem>>
      %dma_start3A_45 = tpu.memref_squeeze %dma_start3A_44 : memref<1x3072xi32, #tpu.memory_space<vmem>> -> memref<3072xi32, #tpu.memory_space<vmem>>
      %dma_start3A_46 = tpu.memref_slice %arg3[%add3A_16] : memref<393216xi32, #tpu.memory_space<hbm>> -> memref<3072xi32, #tpu.memory_space<hbm>>
      %dma_start3A_47 = arith.constant 0 : i32
      %dma_start3A_48 = tpu.memref_slice %arg6[%run_scoped3A_17, %dma_start3A_47] : memref<4x3072xi32, #tpu.memory_space<vmem>> -> memref<1x3072xi32, #tpu.memory_space<vmem>>
      %dma_start3A_49 = tpu.memref_squeeze %dma_start3A_48 : memref<1x3072xi32, #tpu.memory_space<vmem>> -> memref<3072xi32, #tpu.memory_space<vmem>>
      %dma_start3A_50 = tpu.memref_slice %arg3[%add3A_16] : memref<393216xi32, #tpu.memory_space<hbm>> -> memref<3072xi32, #tpu.memory_space<hbm>>
      tpu.enqueue_dma source(%dma_start3A_50 : memref<3072xi32, #tpu.memory_space<hbm>>) target(%dma_start3A_49 : memref<3072xi32, #tpu.memory_space<vmem>>) target_semaphore(%run_scoped3A_43 : memref<!tpu.dma_semaphore, #tpu.memory_space<semaphore_mem>>)
      %dma_wait3A = arith.constant 0 : i32
      %dma_wait3A_51 = tpu.memref_slice %arg6[%run_scoped3A_17, %dma_wait3A] : memref<4x3072xi32, #tpu.memory_space<vmem>> -> memref<1x3072xi32, #tpu.memory_space<vmem>>
      %dma_wait3A_52 = tpu.memref_squeeze %dma_wait3A_51 : memref<1x3072xi32, #tpu.memory_space<vmem>> -> memref<3072xi32, #tpu.memory_space<vmem>>
      %dma_wait3A_53 = tpu.memref_slice %arg3[%add3A_16] : memref<393216xi32, #tpu.memory_space<hbm>> -> memref<3072xi32, #tpu.memory_space<hbm>>
      %dma_wait3A_54 = arith.constant 0 : i32
      %dma_wait3A_55 = tpu.memref_slice %arg6[%run_scoped3A_17, %dma_wait3A_54] : memref<4x3072xi32, #tpu.memory_space<vmem>> -> memref<1x3072xi32, #tpu.memory_space<vmem>>
      %dma_wait3A_56 = tpu.memref_squeeze %dma_wait3A_55 : memref<1x3072xi32, #tpu.memory_space<vmem>> -> memref<3072xi32, #tpu.memory_space<vmem>>
      %dma_wait3A_57 = tpu.memref_slice %arg3[%add3A_16] : memref<393216xi32, #tpu.memory_space<hbm>> -> memref<3072xi32, #tpu.memory_space<hbm>>
      tpu.wait_dma2 semaphore(%run_scoped3A_43 : memref<!tpu.dma_semaphore, #tpu.memory_space<semaphore_mem>>) src(%dma_wait3A_57 : memref<3072xi32, #tpu.memory_space<hbm>>) dst(%dma_wait3A_56 : memref<3072xi32, #tpu.memory_space<vmem>>)
      tpu.yield
    }) : () -> ()
    %add3A_18 = arith.constant 0 : i32
    %add3A_19 = arith.addi %add3A_18, %mul3A_2 : i32
    "tpu.region"() ({
      %run_scoped3A_43 = tpu.sem_alloc : memref<!tpu.dma_semaphore, #tpu.memory_space<semaphore_mem>>
      %dma_start3A = arith.constant 0 : i32
      %dma_start3A_44 = tpu.memref_slice %arg7[%dma_start3A] : memref<12288xf32, #tpu.memory_space<vmem>> -> memref<3072xf32, #tpu.memory_space<vmem>>
      %dma_start3A_45 = tpu.memref_slice %arg4[%add3A_19] : memref<393216xf32, #tpu.memory_space<hbm>> -> memref<3072xf32, #tpu.memory_space<hbm>>
      %dma_start3A_46 = arith.constant 0 : i32
      %dma_start3A_47 = tpu.memref_slice %arg7[%dma_start3A_46] : memref<12288xf32, #tpu.memory_space<vmem>> -> memref<3072xf32, #tpu.memory_space<vmem>>
      %dma_start3A_48 = tpu.memref_slice %arg4[%add3A_19] : memref<393216xf32, #tpu.memory_space<hbm>> -> memref<3072xf32, #tpu.memory_space<hbm>>
      tpu.enqueue_dma source(%dma_start3A_48 : memref<3072xf32, #tpu.memory_space<hbm>>) target(%dma_start3A_47 : memref<3072xf32, #tpu.memory_space<vmem>>) target_semaphore(%run_scoped3A_43 : memref<!tpu.dma_semaphore, #tpu.memory_space<semaphore_mem>>)
      %dma_wait3A = arith.constant 0 : i32
      %dma_wait3A_49 = tpu.memref_slice %arg7[%dma_wait3A] : memref<12288xf32, #tpu.memory_space<vmem>> -> memref<3072xf32, #tpu.memory_space<vmem>>
      %dma_wait3A_50 = tpu.memref_slice %arg4[%add3A_19] : memref<393216xf32, #tpu.memory_space<hbm>> -> memref<3072xf32, #tpu.memory_space<hbm>>
      %dma_wait3A_51 = arith.constant 0 : i32
      %dma_wait3A_52 = tpu.memref_slice %arg7[%dma_wait3A_51] : memref<12288xf32, #tpu.memory_space<vmem>> -> memref<3072xf32, #tpu.memory_space<vmem>>
      %dma_wait3A_53 = tpu.memref_slice %arg4[%add3A_19] : memref<393216xf32, #tpu.memory_space<hbm>> -> memref<3072xf32, #tpu.memory_space<hbm>>
      tpu.wait_dma2 semaphore(%run_scoped3A_43 : memref<!tpu.dma_semaphore, #tpu.memory_space<semaphore_mem>>) src(%dma_wait3A_53 : memref<3072xf32, #tpu.memory_space<hbm>>) dst(%dma_wait3A_52 : memref<3072xf32, #tpu.memory_space<vmem>>)
      tpu.yield
    }) : () -> ()
    %add3A_20 = arith.constant 98304 : i32
    %add3A_21 = arith.addi %add3A_20, %mul3A_2 : i32
    "tpu.region"() ({
      %run_scoped3A_43 = tpu.sem_alloc : memref<!tpu.dma_semaphore, #tpu.memory_space<semaphore_mem>>
      %dma_start3A = arith.constant 3072 : i32
      %dma_start3A_44 = tpu.memref_slice %arg7[%dma_start3A] : memref<12288xf32, #tpu.memory_space<vmem>> -> memref<3072xf32, #tpu.memory_space<vmem>>
      %dma_start3A_45 = tpu.memref_slice %arg4[%add3A_21] : memref<393216xf32, #tpu.memory_space<hbm>> -> memref<3072xf32, #tpu.memory_space<hbm>>
      %dma_start3A_46 = arith.constant 3072 : i32
      %dma_start3A_47 = tpu.memref_slice %arg7[%dma_start3A_46] : memref<12288xf32, #tpu.memory_space<vmem>> -> memref<3072xf32, #tpu.memory_space<vmem>>
      %dma_start3A_48 = tpu.memref_slice %arg4[%add3A_21] : memref<393216xf32, #tpu.memory_space<hbm>> -> memref<3072xf32, #tpu.memory_space<hbm>>
      tpu.enqueue_dma source(%dma_start3A_48 : memref<3072xf32, #tpu.memory_space<hbm>>) target(%dma_start3A_47 : memref<3072xf32, #tpu.memory_space<vmem>>) target_semaphore(%run_scoped3A_43 : memref<!tpu.dma_semaphore, #tpu.memory_space<semaphore_mem>>)
      %dma_wait3A = arith.constant 3072 : i32
      %dma_wait3A_49 = tpu.memref_slice %arg7[%dma_wait3A] : memref<12288xf32, #tpu.memory_space<vmem>> -> memref<3072xf32, #tpu.memory_space<vmem>>
      %dma_wait3A_50 = tpu.memref_slice %arg4[%add3A_21] : memref<393216xf32, #tpu.memory_space<hbm>> -> memref<3072xf32, #tpu.memory_space<hbm>>
      %dma_wait3A_51 = arith.constant 3072 : i32
      %dma_wait3A_52 = tpu.memref_slice %arg7[%dma_wait3A_51] : memref<12288xf32, #tpu.memory_space<vmem>> -> memref<3072xf32, #tpu.memory_space<vmem>>
      %dma_wait3A_53 = tpu.memref_slice %arg4[%add3A_21] : memref<393216xf32, #tpu.memory_space<hbm>> -> memref<3072xf32, #tpu.memory_space<hbm>>
      tpu.wait_dma2 semaphore(%run_scoped3A_43 : memref<!tpu.dma_semaphore, #tpu.memory_space<semaphore_mem>>) src(%dma_wait3A_53 : memref<3072xf32, #tpu.memory_space<hbm>>) dst(%dma_wait3A_52 : memref<3072xf32, #tpu.memory_space<vmem>>)
      tpu.yield
    }) : () -> ()
    %add3A_22 = arith.constant 196608 : i32
    %add3A_23 = arith.addi %add3A_22, %mul3A_2 : i32
    "tpu.region"() ({
      %run_scoped3A_43 = tpu.sem_alloc : memref<!tpu.dma_semaphore, #tpu.memory_space<semaphore_mem>>
      %dma_start3A = arith.constant 6144 : i32
      %dma_start3A_44 = tpu.memref_slice %arg7[%dma_start3A] : memref<12288xf32, #tpu.memory_space<vmem>> -> memref<3072xf32, #tpu.memory_space<vmem>>
      %dma_start3A_45 = tpu.memref_slice %arg4[%add3A_23] : memref<393216xf32, #tpu.memory_space<hbm>> -> memref<3072xf32, #tpu.memory_space<hbm>>
      %dma_start3A_46 = arith.constant 6144 : i32
      %dma_start3A_47 = tpu.memref_slice %arg7[%dma_start3A_46] : memref<12288xf32, #tpu.memory_space<vmem>> -> memref<3072xf32, #tpu.memory_space<vmem>>
      %dma_start3A_48 = tpu.memref_slice %arg4[%add3A_23] : memref<393216xf32, #tpu.memory_space<hbm>> -> memref<3072xf32, #tpu.memory_space<hbm>>
      tpu.enqueue_dma source(%dma_start3A_48 : memref<3072xf32, #tpu.memory_space<hbm>>) target(%dma_start3A_47 : memref<3072xf32, #tpu.memory_space<vmem>>) target_semaphore(%run_scoped3A_43 : memref<!tpu.dma_semaphore, #tpu.memory_space<semaphore_mem>>)
      %dma_wait3A = arith.constant 6144 : i32
      %dma_wait3A_49 = tpu.memref_slice %arg7[%dma_wait3A] : memref<12288xf32, #tpu.memory_space<vmem>> -> memref<3072xf32, #tpu.memory_space<vmem>>
      %dma_wait3A_50 = tpu.memref_slice %arg4[%add3A_23] : memref<393216xf32, #tpu.memory_space<hbm>> -> memref<3072xf32, #tpu.memory_space<hbm>>
      %dma_wait3A_51 = arith.constant 6144 : i32
      %dma_wait3A_52 = tpu.memref_slice %arg7[%dma_wait3A_51] : memref<12288xf32, #tpu.memory_space<vmem>> -> memref<3072xf32, #tpu.memory_space<vmem>>
      %dma_wait3A_53 = tpu.memref_slice %arg4[%add3A_23] : memref<393216xf32, #tpu.memory_space<hbm>> -> memref<3072xf32, #tpu.memory_space<hbm>>
      tpu.wait_dma2 semaphore(%run_scoped3A_43 : memref<!tpu.dma_semaphore, #tpu.memory_space<semaphore_mem>>) src(%dma_wait3A_53 : memref<3072xf32, #tpu.memory_space<hbm>>) dst(%dma_wait3A_52 : memref<3072xf32, #tpu.memory_space<vmem>>)
      tpu.yield
    }) : () -> ()
    %add3A_24 = arith.constant 294912 : i32
    %add3A_25 = arith.addi %add3A_24, %mul3A_2 : i32
    "tpu.region"() ({
      %run_scoped3A_43 = tpu.sem_alloc : memref<!tpu.dma_semaphore, #tpu.memory_space<semaphore_mem>>
      %dma_start3A = arith.constant 9216 : i32
      %dma_start3A_44 = tpu.memref_slice %arg7[%dma_start3A] : memref<12288xf32, #tpu.memory_space<vmem>> -> memref<3072xf32, #tpu.memory_space<vmem>>
      %dma_start3A_45 = tpu.memref_slice %arg4[%add3A_25] : memref<393216xf32, #tpu.memory_space<hbm>> -> memref<3072xf32, #tpu.memory_space<hbm>>
      %dma_start3A_46 = arith.constant 9216 : i32
      %dma_start3A_47 = tpu.memref_slice %arg7[%dma_start3A_46] : memref<12288xf32, #tpu.memory_space<vmem>> -> memref<3072xf32, #tpu.memory_space<vmem>>
      %dma_start3A_48 = tpu.memref_slice %arg4[%add3A_25] : memref<393216xf32, #tpu.memory_space<hbm>> -> memref<3072xf32, #tpu.memory_space<hbm>>
      tpu.enqueue_dma source(%dma_start3A_48 : memref<3072xf32, #tpu.memory_space<hbm>>) target(%dma_start3A_47 : memref<3072xf32, #tpu.memory_space<vmem>>) target_semaphore(%run_scoped3A_43 : memref<!tpu.dma_semaphore, #tpu.memory_space<semaphore_mem>>)
      %dma_wait3A = arith.constant 9216 : i32
      %dma_wait3A_49 = tpu.memref_slice %arg7[%dma_wait3A] : memref<12288xf32, #tpu.memory_space<vmem>> -> memref<3072xf32, #tpu.memory_space<vmem>>
      %dma_wait3A_50 = tpu.memref_slice %arg4[%add3A_25] : memref<393216xf32, #tpu.memory_space<hbm>> -> memref<3072xf32, #tpu.memory_space<hbm>>
      %dma_wait3A_51 = arith.constant 9216 : i32
      %dma_wait3A_52 = tpu.memref_slice %arg7[%dma_wait3A_51] : memref<12288xf32, #tpu.memory_space<vmem>> -> memref<3072xf32, #tpu.memory_space<vmem>>
      %dma_wait3A_53 = tpu.memref_slice %arg4[%add3A_25] : memref<393216xf32, #tpu.memory_space<hbm>> -> memref<3072xf32, #tpu.memory_space<hbm>>
      tpu.wait_dma2 semaphore(%run_scoped3A_43 : memref<!tpu.dma_semaphore, #tpu.memory_space<semaphore_mem>>) src(%dma_wait3A_53 : memref<3072xf32, #tpu.memory_space<hbm>>) dst(%dma_wait3A_52 : memref<3072xf32, #tpu.memory_space<vmem>>)
      tpu.yield
    }) : () -> ()
    %gt3A = arith.constant 0 : i32
    %gt3A_26 = arith.cmpi sgt, %min3A_6, %gt3A : i32
    %convert_element_type3A = arith.extui %gt3A_26 : i1 to i32
    %cond3A = arith.constant 0 : i32
    %cond3A_27 = arith.cmpi ne, %convert_element_type3A, %cond3A : i32
    scf.if %cond3A_27 {
      %dma_start3A = arith.constant 0 : i32
      %dma_start3A_43 = arith.constant 0 : i32
      %dma_start3A_44 = arith.constant 0 : i32
      %dma_start3A_45 = tpu.memref_slice %arg8[%dma_start3A_43, %dma_start3A_44] : memref<64x256xf32, #tpu.memory_space<vmem>> -> memref<16x256xf32, #tpu.memory_space<vmem>>
      %dma_start3A_46 = arith.constant 0 : i32
      %dma_start3A_47 = tpu.memref_slice %arg6[%dma_start3A, %dma_start3A_46] : memref<4x3072xi32, #tpu.memory_space<vmem>> -> memref<1x16xi32, #tpu.memory_space<vmem>>
      %dma_start3A_48 = tpu.memref_squeeze %dma_start3A_47 : memref<1x16xi32, #tpu.memory_space<vmem>> -> memref<16xi32, #tpu.memory_space<vmem>>
      %dma_start3A_49 = arith.constant 0 : i32
      %dma_start3A_50 = arith.constant 0 : i32
      %dma_start3A_51 = tpu.memref_slice %arg2[%dma_start3A_49, %dma_start3A_50] : memref<131072x256xf32, #tpu.memory_space<hbm>> -> memref<131072x256xf32, #tpu.memory_space<hbm>>
      tpu.enqueue_indirect_dma source(%dma_start3A_51 : memref<131072x256xf32, #tpu.memory_space<hbm>>) target(%dma_start3A_45 : memref<16x256xf32, #tpu.memory_space<vmem>>) offsets(%dma_start3A_48 : memref<16xi32, #tpu.memory_space<vmem>>) semaphore(%arg12 : memref<!tpu.dma_semaphore, #tpu.memory_space<semaphore_mem>>)
      %dma_start3A_52 = arith.constant 1 : i32
      %dma_start3A_53 = arith.constant 16 : i32
      %dma_start3A_54 = arith.constant 0 : i32
      %dma_start3A_55 = tpu.memref_slice %arg8[%dma_start3A_53, %dma_start3A_54] : memref<64x256xf32, #tpu.memory_space<vmem>> -> memref<16x256xf32, #tpu.memory_space<vmem>>
      %dma_start3A_56 = arith.constant 0 : i32
      %dma_start3A_57 = tpu.memref_slice %arg6[%dma_start3A_52, %dma_start3A_56] : memref<4x3072xi32, #tpu.memory_space<vmem>> -> memref<1x16xi32, #tpu.memory_space<vmem>>
      %dma_start3A_58 = tpu.memref_squeeze %dma_start3A_57 : memref<1x16xi32, #tpu.memory_space<vmem>> -> memref<16xi32, #tpu.memory_space<vmem>>
      %dma_start3A_59 = arith.constant 0 : i32
      %dma_start3A_60 = arith.constant 0 : i32
      %dma_start3A_61 = tpu.memref_slice %arg2[%dma_start3A_59, %dma_start3A_60] : memref<131072x256xf32, #tpu.memory_space<hbm>> -> memref<131072x256xf32, #tpu.memory_space<hbm>>
      tpu.enqueue_indirect_dma source(%dma_start3A_61 : memref<131072x256xf32, #tpu.memory_space<hbm>>) target(%dma_start3A_55 : memref<16x256xf32, #tpu.memory_space<vmem>>) offsets(%dma_start3A_58 : memref<16xi32, #tpu.memory_space<vmem>>) semaphore(%arg12 : memref<!tpu.dma_semaphore, #tpu.memory_space<semaphore_mem>>)
      %dma_start3A_62 = arith.constant 2 : i32
      %dma_start3A_63 = arith.constant 32 : i32
      %dma_start3A_64 = arith.constant 0 : i32
      %dma_start3A_65 = tpu.memref_slice %arg8[%dma_start3A_63, %dma_start3A_64] : memref<64x256xf32, #tpu.memory_space<vmem>> -> memref<16x256xf32, #tpu.memory_space<vmem>>
      %dma_start3A_66 = arith.constant 0 : i32
      %dma_start3A_67 = tpu.memref_slice %arg6[%dma_start3A_62, %dma_start3A_66] : memref<4x3072xi32, #tpu.memory_space<vmem>> -> memref<1x16xi32, #tpu.memory_space<vmem>>
      %dma_start3A_68 = tpu.memref_squeeze %dma_start3A_67 : memref<1x16xi32, #tpu.memory_space<vmem>> -> memref<16xi32, #tpu.memory_space<vmem>>
      %dma_start3A_69 = arith.constant 0 : i32
      %dma_start3A_70 = arith.constant 0 : i32
      %dma_start3A_71 = tpu.memref_slice %arg2[%dma_start3A_69, %dma_start3A_70] : memref<131072x256xf32, #tpu.memory_space<hbm>> -> memref<131072x256xf32, #tpu.memory_space<hbm>>
      tpu.enqueue_indirect_dma source(%dma_start3A_71 : memref<131072x256xf32, #tpu.memory_space<hbm>>) target(%dma_start3A_65 : memref<16x256xf32, #tpu.memory_space<vmem>>) offsets(%dma_start3A_68 : memref<16xi32, #tpu.memory_space<vmem>>) semaphore(%arg12 : memref<!tpu.dma_semaphore, #tpu.memory_space<semaphore_mem>>)
      %dma_start3A_72 = arith.constant 3 : i32
      %dma_start3A_73 = arith.constant 48 : i32
      %dma_start3A_74 = arith.constant 0 : i32
      %dma_start3A_75 = tpu.memref_slice %arg8[%dma_start3A_73, %dma_start3A_74] : memref<64x256xf32, #tpu.memory_space<vmem>> -> memref<16x256xf32, #tpu.memory_space<vmem>>
      %dma_start3A_76 = arith.constant 0 : i32
      %dma_start3A_77 = tpu.memref_slice %arg6[%dma_start3A_72, %dma_start3A_76] : memref<4x3072xi32, #tpu.memory_space<vmem>> -> memref<1x16xi32, #tpu.memory_space<vmem>>
      %dma_start3A_78 = tpu.memref_squeeze %dma_start3A_77 : memref<1x16xi32, #tpu.memory_space<vmem>> -> memref<16xi32, #tpu.memory_space<vmem>>
      %dma_start3A_79 = arith.constant 0 : i32
      %dma_start3A_80 = arith.constant 0 : i32
      %dma_start3A_81 = tpu.memref_slice %arg2[%dma_start3A_79, %dma_start3A_80] : memref<131072x256xf32, #tpu.memory_space<hbm>> -> memref<131072x256xf32, #tpu.memory_space<hbm>>
      tpu.enqueue_indirect_dma source(%dma_start3A_81 : memref<131072x256xf32, #tpu.memory_space<hbm>>) target(%dma_start3A_75 : memref<16x256xf32, #tpu.memory_space<vmem>>) offsets(%dma_start3A_78 : memref<16xi32, #tpu.memory_space<vmem>>) semaphore(%arg12 : memref<!tpu.dma_semaphore, #tpu.memory_space<semaphore_mem>>)
    } else {
    }
    %scan3A = arith.constant 0 : i32
    %scan3A_28 = arith.constant 0 : i32
    %scan3A_29 = arith.constant 96 : i32
    %scan3A_30 = arith.addi %scan3A_28, %scan3A_29 : i32
    %scan3A_31 = arith.constant 1 : i32
    scf.for %scan3A_43 = %scan3A_28 to %scan3A_30 step %scan3A_31  : i32 {
      %mul3A_44 = arith.constant 2 : i32
      %mul3A_45 = arith.muli %mul3A_44, %scan3A_43 : i32
      %add3A_46 = arith.constant 0 : i32
      %add3A_47 = arith.addi %mul3A_45, %add3A_46 : i32
      %lt3A = arith.cmpi slt, %add3A_47, %min3A_6 : i32
      %convert_element_type3A_48 = arith.extui %lt3A : i1 to i32
      %cond3A_49 = arith.constant 0 : i32
      %cond3A_50 = arith.cmpi ne, %convert_element_type3A_48, %cond3A_49 : i32
      scf.if %cond3A_50 {
        %add3A_59 = arith.constant 1 : i32
        %add3A_60 = arith.addi %add3A_47, %add3A_59 : i32
        %lt3A_61 = arith.cmpi slt, %add3A_60, %min3A_6 : i32
        %convert_element_type3A_62 = arith.extui %lt3A_61 : i1 to i32
        %cond3A_63 = arith.constant 0 : i32
        %cond3A_64 = arith.cmpi ne, %convert_element_type3A_62, %cond3A_63 : i32
        scf.if %cond3A_64 {
          %add3A_151 = arith.constant 1 : i32
          %add3A_152 = arith.addi %add3A_47, %add3A_151 : i32
          %mul3A_153 = arith.constant 16 : i32
          %mul3A_154 = arith.muli %add3A_152, %mul3A_153 : i32
          %mul3A_155 = arith.constant 16 : i32
          %mul3A_156 = arith.muli %add3A_152, %mul3A_155 : i32
          %mul3A_157 = arith.constant 16 : i32
          %mul3A_158 = arith.muli %add3A_152, %mul3A_157 : i32
          %mul3A_159 = arith.constant 16 : i32
          %mul3A_160 = arith.muli %add3A_152, %mul3A_159 : i32
          %dma_start3A_161 = arith.constant 0 : i32
          %dma_start3A_162 = arith.constant 0 : i32
          %dma_start3A_163 = arith.constant 0 : i32
          %dma_start3A_164 = tpu.memref_slice %arg9[%dma_start3A_162, %dma_start3A_163] : memref<64x256xf32, #tpu.memory_space<vmem>> -> memref<16x256xf32, #tpu.memory_space<vmem>>
          %dma_start3A_165 = tpu.memref_slice %arg6[%dma_start3A_161, %mul3A_154] : memref<4x3072xi32, #tpu.memory_space<vmem>> -> memref<1x16xi32, #tpu.memory_space<vmem>>
          %dma_start3A_166 = tpu.memref_squeeze %dma_start3A_165 : memref<1x16xi32, #tpu.memory_space<vmem>> -> memref<16xi32, #tpu.memory_space<vmem>>
          %dma_start3A_167 = arith.constant 0 : i32
          %dma_start3A_168 = arith.constant 0 : i32
          %dma_start3A_169 = tpu.memref_slice %arg2[%dma_start3A_167, %dma_start3A_168] : memref<131072x256xf32, #tpu.memory_space<hbm>> -> memref<131072x256xf32, #tpu.memory_space<hbm>>
          tpu.enqueue_indirect_dma source(%dma_start3A_169 : memref<131072x256xf32, #tpu.memory_space<hbm>>) target(%dma_start3A_164 : memref<16x256xf32, #tpu.memory_space<vmem>>) offsets(%dma_start3A_166 : memref<16xi32, #tpu.memory_space<vmem>>) semaphore(%arg13 : memref<!tpu.dma_semaphore, #tpu.memory_space<semaphore_mem>>)
          %dma_start3A_170 = arith.constant 1 : i32
          %dma_start3A_171 = arith.constant 16 : i32
          %dma_start3A_172 = arith.constant 0 : i32
          %dma_start3A_173 = tpu.memref_slice %arg9[%dma_start3A_171, %dma_start3A_172] : memref<64x256xf32, #tpu.memory_space<vmem>> -> memref<16x256xf32, #tpu.memory_space<vmem>>
          %dma_start3A_174 = tpu.memref_slice %arg6[%dma_start3A_170, %mul3A_156] : memref<4x3072xi32, #tpu.memory_space<vmem>> -> memref<1x16xi32, #tpu.memory_space<vmem>>
          %dma_start3A_175 = tpu.memref_squeeze %dma_start3A_174 : memref<1x16xi32, #tpu.memory_space<vmem>> -> memref<16xi32, #tpu.memory_space<vmem>>
          %dma_start3A_176 = arith.constant 0 : i32
          %dma_start3A_177 = arith.constant 0 : i32
          %dma_start3A_178 = tpu.memref_slice %arg2[%dma_start3A_176, %dma_start3A_177] : memref<131072x256xf32, #tpu.memory_space<hbm>> -> memref<131072x256xf32, #tpu.memory_space<hbm>>
          tpu.enqueue_indirect_dma source(%dma_start3A_178 : memref<131072x256xf32, #tpu.memory_space<hbm>>) target(%dma_start3A_173 : memref<16x256xf32, #tpu.memory_space<vmem>>) offsets(%dma_start3A_175 : memref<16xi32, #tpu.memory_space<vmem>>) semaphore(%arg13 : memref<!tpu.dma_semaphore, #tpu.memory_space<semaphore_mem>>)
          %dma_start3A_179 = arith.constant 2 : i32
          %dma_start3A_180 = arith.constant 32 : i32
          %dma_start3A_181 = arith.constant 0 : i32
          %dma_start3A_182 = tpu.memref_slice %arg9[%dma_start3A_180, %dma_start3A_181] : memref<64x256xf32, #tpu.memory_space<vmem>> -> memref<16x256xf32, #tpu.memory_space<vmem>>
          %dma_start3A_183 = tpu.memref_slice %arg6[%dma_start3A_179, %mul3A_158] : memref<4x3072xi32, #tpu.memory_space<vmem>> -> memref<1x16xi32, #tpu.memory_space<vmem>>
          %dma_start3A_184 = tpu.memref_squeeze %dma_start3A_183 : memref<1x16xi32, #tpu.memory_space<vmem>> -> memref<16xi32, #tpu.memory_space<vmem>>
          %dma_start3A_185 = arith.constant 0 : i32
          %dma_start3A_186 = arith.constant 0 : i32
          %dma_start3A_187 = tpu.memref_slice %arg2[%dma_start3A_185, %dma_start3A_186] : memref<131072x256xf32, #tpu.memory_space<hbm>> -> memref<131072x256xf32, #tpu.memory_space<hbm>>
          tpu.enqueue_indirect_dma source(%dma_start3A_187 : memref<131072x256xf32, #tpu.memory_space<hbm>>) target(%dma_start3A_182 : memref<16x256xf32, #tpu.memory_space<vmem>>) offsets(%dma_start3A_184 : memref<16xi32, #tpu.memory_space<vmem>>) semaphore(%arg13 : memref<!tpu.dma_semaphore, #tpu.memory_space<semaphore_mem>>)
          %dma_start3A_188 = arith.constant 3 : i32
          %dma_start3A_189 = arith.constant 48 : i32
          %dma_start3A_190 = arith.constant 0 : i32
          %dma_start3A_191 = tpu.memref_slice %arg9[%dma_start3A_189, %dma_start3A_190] : memref<64x256xf32, #tpu.memory_space<vmem>> -> memref<16x256xf32, #tpu.memory_space<vmem>>
          %dma_start3A_192 = tpu.memref_slice %arg6[%dma_start3A_188, %mul3A_160] : memref<4x3072xi32, #tpu.memory_space<vmem>> -> memref<1x16xi32, #tpu.memory_space<vmem>>
          %dma_start3A_193 = tpu.memref_squeeze %dma_start3A_192 : memref<1x16xi32, #tpu.memory_space<vmem>> -> memref<16xi32, #tpu.memory_space<vmem>>
          %dma_start3A_194 = arith.constant 0 : i32
          %dma_start3A_195 = arith.constant 0 : i32
          %dma_start3A_196 = tpu.memref_slice %arg2[%dma_start3A_194, %dma_start3A_195] : memref<131072x256xf32, #tpu.memory_space<hbm>> -> memref<131072x256xf32, #tpu.memory_space<hbm>>
          tpu.enqueue_indirect_dma source(%dma_start3A_196 : memref<131072x256xf32, #tpu.memory_space<hbm>>) target(%dma_start3A_191 : memref<16x256xf32, #tpu.memory_space<vmem>>) offsets(%dma_start3A_193 : memref<16xi32, #tpu.memory_space<vmem>>) semaphore(%arg13 : memref<!tpu.dma_semaphore, #tpu.memory_space<semaphore_mem>>)
        } else {
        }
        %mul3A_65 = arith.constant 16 : i32
        %mul3A_66 = arith.muli %add3A_47, %mul3A_65 : i32
        %mul3A_67 = arith.constant 16 : i32
        %mul3A_68 = arith.muli %add3A_47, %mul3A_67 : i32
        %mul3A_69 = arith.constant 16 : i32
        %mul3A_70 = arith.muli %add3A_47, %mul3A_69 : i32
        %mul3A_71 = arith.constant 16 : i32
        %mul3A_72 = arith.muli %add3A_47, %mul3A_71 : i32
        %dma_wait3A = arith.constant 0 : i32
        %dma_wait3A_73 = arith.constant 0 : i32
        %dma_wait3A_74 = arith.constant 0 : i32
        %dma_wait3A_75 = tpu.memref_slice %arg8[%dma_wait3A_73, %dma_wait3A_74] : memref<64x256xf32, #tpu.memory_space<vmem>> -> memref<16x256xf32, #tpu.memory_space<vmem>>
        %dma_wait3A_76 = tpu.memref_slice %arg6[%dma_wait3A, %mul3A_66] : memref<4x3072xi32, #tpu.memory_space<vmem>> -> memref<1x16xi32, #tpu.memory_space<vmem>>
        %dma_wait3A_77 = tpu.memref_squeeze %dma_wait3A_76 : memref<1x16xi32, #tpu.memory_space<vmem>> -> memref<16xi32, #tpu.memory_space<vmem>>
        %dma_wait3A_78 = arith.constant 0 : i32
        %dma_wait3A_79 = arith.constant 0 : i32
        %dma_wait3A_80 = tpu.memref_slice %arg2[%dma_wait3A_78, %dma_wait3A_79] : memref<131072x256xf32, #tpu.memory_space<hbm>> -> memref<131072x256xf32, #tpu.memory_space<hbm>>
        tpu.wait_indirect_dma semaphore(%arg12 : memref<!tpu.dma_semaphore, #tpu.memory_space<semaphore_mem>>) src(%dma_wait3A_80 : memref<131072x256xf32, #tpu.memory_space<hbm>>) dst(%dma_wait3A_75 : memref<16x256xf32, #tpu.memory_space<vmem>>)
        %dma_wait3A_81 = arith.constant 1 : i32
        %dma_wait3A_82 = arith.constant 16 : i32
        %dma_wait3A_83 = arith.constant 0 : i32
        %dma_wait3A_84 = tpu.memref_slice %arg8[%dma_wait3A_82, %dma_wait3A_83] : memref<64x256xf32, #tpu.memory_space<vmem>> -> memref<16x256xf32, #tpu.memory_space<vmem>>
        %dma_wait3A_85 = tpu.memref_slice %arg6[%dma_wait3A_81, %mul3A_68] : memref<4x3072xi32, #tpu.memory_space<vmem>> -> memref<1x16xi32, #tpu.memory_space<vmem>>
        %dma_wait3A_86 = tpu.memref_squeeze %dma_wait3A_85 : memref<1x16xi32, #tpu.memory_space<vmem>> -> memref<16xi32, #tpu.memory_space<vmem>>
        %dma_wait3A_87 = arith.constant 0 : i32
        %dma_wait3A_88 = arith.constant 0 : i32
        %dma_wait3A_89 = tpu.memref_slice %arg2[%dma_wait3A_87, %dma_wait3A_88] : memref<131072x256xf32, #tpu.memory_space<hbm>> -> memref<131072x256xf32, #tpu.memory_space<hbm>>
        tpu.wait_indirect_dma semaphore(%arg12 : memref<!tpu.dma_semaphore, #tpu.memory_space<semaphore_mem>>) src(%dma_wait3A_89 : memref<131072x256xf32, #tpu.memory_space<hbm>>) dst(%dma_wait3A_84 : memref<16x256xf32, #tpu.memory_space<vmem>>)
        %dma_wait3A_90 = arith.constant 2 : i32
        %dma_wait3A_91 = arith.constant 32 : i32
        %dma_wait3A_92 = arith.constant 0 : i32
        %dma_wait3A_93 = tpu.memref_slice %arg8[%dma_wait3A_91, %dma_wait3A_92] : memref<64x256xf32, #tpu.memory_space<vmem>> -> memref<16x256xf32, #tpu.memory_space<vmem>>
        %dma_wait3A_94 = tpu.memref_slice %arg6[%dma_wait3A_90, %mul3A_70] : memref<4x3072xi32, #tpu.memory_space<vmem>> -> memref<1x16xi32, #tpu.memory_space<vmem>>
        %dma_wait3A_95 = tpu.memref_squeeze %dma_wait3A_94 : memref<1x16xi32, #tpu.memory_space<vmem>> -> memref<16xi32, #tpu.memory_space<vmem>>
        %dma_wait3A_96 = arith.constant 0 : i32
        %dma_wait3A_97 = arith.constant 0 : i32
        %dma_wait3A_98 = tpu.memref_slice %arg2[%dma_wait3A_96, %dma_wait3A_97] : memref<131072x256xf32, #tpu.memory_space<hbm>> -> memref<131072x256xf32, #tpu.memory_space<hbm>>
        tpu.wait_indirect_dma semaphore(%arg12 : memref<!tpu.dma_semaphore, #tpu.memory_space<semaphore_mem>>) src(%dma_wait3A_98 : memref<131072x256xf32, #tpu.memory_space<hbm>>) dst(%dma_wait3A_93 : memref<16x256xf32, #tpu.memory_space<vmem>>)
        %dma_wait3A_99 = arith.constant 3 : i32
        %dma_wait3A_100 = arith.constant 48 : i32
        %dma_wait3A_101 = arith.constant 0 : i32
        %dma_wait3A_102 = tpu.memref_slice %arg8[%dma_wait3A_100, %dma_wait3A_101] : memref<64x256xf32, #tpu.memory_space<vmem>> -> memref<16x256xf32, #tpu.memory_space<vmem>>
        %dma_wait3A_103 = tpu.memref_slice %arg6[%dma_wait3A_99, %mul3A_72] : memref<4x3072xi32, #tpu.memory_space<vmem>> -> memref<1x16xi32, #tpu.memory_space<vmem>>
        %dma_wait3A_104 = tpu.memref_squeeze %dma_wait3A_103 : memref<1x16xi32, #tpu.memory_space<vmem>> -> memref<16xi32, #tpu.memory_space<vmem>>
        %dma_wait3A_105 = arith.constant 0 : i32
        %dma_wait3A_106 = arith.constant 0 : i32
        %dma_wait3A_107 = tpu.memref_slice %arg2[%dma_wait3A_105, %dma_wait3A_106] : memref<131072x256xf32, #tpu.memory_space<hbm>> -> memref<131072x256xf32, #tpu.memory_space<hbm>>
        tpu.wait_indirect_dma semaphore(%arg12 : memref<!tpu.dma_semaphore, #tpu.memory_space<semaphore_mem>>) src(%dma_wait3A_107 : memref<131072x256xf32, #tpu.memory_space<hbm>>) dst(%dma_wait3A_102 : memref<16x256xf32, #tpu.memory_space<vmem>>)
        %ge3A = arith.constant 2 : i32
        %ge3A_108 = arith.cmpi sge, %add3A_47, %ge3A : i32
        %convert_element_type3A_109 = arith.extui %ge3A_108 : i1 to i32
        %cond3A_110 = arith.constant 0 : i32
        %cond3A_111 = arith.cmpi ne, %convert_element_type3A_109, %cond3A_110 : i32
        scf.if %cond3A_111 {
          %sub3A_151 = arith.constant 2 : i32
          %sub3A_152 = arith.subi %add3A_47, %sub3A_151 : i32
          %mul3A_153 = arith.constant 16 : i32
          %mul3A_154 = arith.muli %sub3A_152, %mul3A_153 : i32
          %add3A_155 = arith.addi %mul3A_2, %mul3A_154 : i32
          %dma_wait3A_156 = arith.constant 0 : i32
          %dma_wait3A_157 = tpu.memref_slice %arg5[%add3A_155, %dma_wait3A_156] : memref<98000x256xf32, #tpu.memory_space<hbm>> -> memref<16x256xf32, #tpu.memory_space<hbm>>
          %dma_wait3A_158 = arith.constant 0 : i32
          %dma_wait3A_159 = tpu.memref_slice %arg5[%add3A_155, %dma_wait3A_158] : memref<98000x256xf32, #tpu.memory_space<hbm>> -> memref<16x256xf32, #tpu.memory_space<hbm>>
          tpu.wait_dma2 semaphore(%arg14 : memref<!tpu.dma_semaphore, #tpu.memory_space<semaphore_mem>>) src(%arg10 : memref<16x256xf32, #tpu.memory_space<vmem>>) dst(%dma_wait3A_159 : memref<16x256xf32, #tpu.memory_space<hbm>>)
        } else {
        }
        %mul3A_112 = arith.constant 16 : i32
        %mul3A_113 = arith.muli %add3A_47, %mul3A_112 : i32
        %add3A_114 = arith.constant 0 : i32
        %add3A_115 = arith.addi %add3A_114, %mul3A_113 : i32
        %get3A = arith.index_cast %add3A_115 : i32 to index
        %get3A_116 = tpu.vector_load %arg7[%get3A] {strides = array<i32>} : memref<12288xf32, #tpu.memory_space<vmem>>, vector<16xf32>,
        %get3A_117 = vector.shape_cast %get3A_116 : vector<16xf32> to vector<16xf32>
        %mul3A_118 = arith.constant 16 : i32
        %mul3A_119 = arith.muli %add3A_47, %mul3A_118 : i32
        %add3A_120 = arith.constant 3072 : i32
        %add3A_121 = arith.addi %add3A_120, %mul3A_119 : i32
        %get3A_122 = arith.index_cast %add3A_121 : i32 to index
        %get3A_123 = tpu.vector_load %arg7[%get3A_122] {strides = array<i32>} : memref<12288xf32, #tpu.memory_space<vmem>>, vector<16xf32>,
        %get3A_124 = vector.shape_cast %get3A_123 : vector<16xf32> to vector<16xf32>
        %mul3A_125 = arith.constant 16 : i32
        %mul3A_126 = arith.muli %add3A_47, %mul3A_125 : i32
        %add3A_127 = arith.constant 6144 : i32
        %add3A_128 = arith.addi %add3A_127, %mul3A_126 : i32
        %get3A_129 = arith.index_cast %add3A_128 : i32 to index
        %get3A_130 = tpu.vector_load %arg7[%get3A_129] {strides = array<i32>} : memref<12288xf32, #tpu.memory_space<vmem>>, vector<16xf32>,
        %get3A_131 = vector.shape_cast %get3A_130 : vector<16xf32> to vector<16xf32>
        %mul3A_132 = arith.constant 16 : i32
        %mul3A_133 = arith.muli %add3A_47, %mul3A_132 : i32
        %add3A_134 = arith.constant 9216 : i32
        %add3A_135 = arith.addi %add3A_134, %mul3A_133 : i32
        %get3A_136 = arith.index_cast %add3A_135 : i32 to index
        %get3A_137 = tpu.vector_load %arg7[%get3A_136] {strides = array<i32>} : memref<12288xf32, #tpu.memory_space<vmem>>, vector<16xf32>,
        %get3A_138 = vector.shape_cast %get3A_137 : vector<16xf32> to vector<16xf32>
        %scan3A_139 = arith.constant 0 : i32
        %scan3A_140 = arith.constant 0 : i32
        %scan3A_141 = arith.constant 16 : i32
        %scan3A_142 = arith.addi %scan3A_140, %scan3A_141 : i32
        %scan3A_143 = arith.constant 1 : i32
        scf.for %scan3A_151 = %scan3A_140 to %scan3A_142 step %scan3A_143  : i32 {
          %broadcast_in_dim3A = vector.broadcast %scan3A_151 : i32 to vector<16xi32>
          %lt3A_152 = arith.constant 0 : i32
          %lt3A_153 = vector.broadcast %lt3A_152 : i32 to vector<16xi32>
          %lt3A_154 = arith.cmpi slt, %broadcast_in_dim3A, %lt3A_153 : vector<16xi32>
          %add3A_155 = arith.constant 16 : i32
          %add3A_156 = vector.broadcast %add3A_155 : i32 to vector<16xi32>
          %add3A_157 = arith.addi %broadcast_in_dim3A, %add3A_156 : vector<16xi32>
          %select_n3A = arith.select %lt3A_154, %add3A_157, %broadcast_in_dim3A : vector<16xi1>, vector<16xi32>
          %broadcast_in_dim3A_158 = vector.shape_cast %select_n3A : vector<16xi32> to vector<16x1xi32>
          %gather3A = vector.shape_cast %broadcast_in_dim3A_158 : vector<16x1xi32> to vector<16xi32>
          %gather3A_159 = tpu.dynamic_gather %get3A_117[%gather3A] in [0] : vector<16xf32>, vector<16xi32> -> vector<16xf32>
          %lt3A_160 = arith.constant 0 : i32
          %lt3A_161 = vector.broadcast %lt3A_160 : i32 to vector<16xi32>
          %lt3A_162 = arith.cmpi slt, %broadcast_in_dim3A, %lt3A_161 : vector<16xi32>
          %add3A_163 = arith.constant 16 : i32
          %add3A_164 = vector.broadcast %add3A_163 : i32 to vector<16xi32>
          %add3A_165 = arith.addi %broadcast_in_dim3A, %add3A_164 : vector<16xi32>
          %select_n3A_166 = arith.select %lt3A_162, %add3A_165, %broadcast_in_dim3A : vector<16xi1>, vector<16xi32>
          %broadcast_in_dim3A_167 = vector.shape_cast %select_n3A_166 : vector<16xi32> to vector<16x1xi32>
          %gather3A_168 = vector.shape_cast %broadcast_in_dim3A_167 : vector<16x1xi32> to vector<16xi32>
          %gather3A_169 = tpu.dynamic_gather %get3A_124[%gather3A_168] in [0] : vector<16xf32>, vector<16xi32> -> vector<16xf32>
          %lt3A_170 = arith.constant 0 : i32
          %lt3A_171 = vector.broadcast %lt3A_170 : i32 to vector<16xi32>
          %lt3A_172 = arith.cmpi slt, %broadcast_in_dim3A, %lt3A_171 : vector<16xi32>
          %add3A_173 = arith.constant 16 : i32
          %add3A_174 = vector.broadcast %add3A_173 : i32 to vector<16xi32>
          %add3A_175 = arith.addi %broadcast_in_dim3A, %add3A_174 : vector<16xi32>
          %select_n3A_176 = arith.select %lt3A_172, %add3A_175, %broadcast_in_dim3A : vector<16xi1>, vector<16xi32>
          %broadcast_in_dim3A_177 = vector.shape_cast %select_n3A_176 : vector<16xi32> to vector<16x1xi32>
          %gather3A_178 = vector.shape_cast %broadcast_in_dim3A_177 : vector<16x1xi32> to vector<16xi32>
          %gather3A_179 = tpu.dynamic_gather %get3A_131[%gather3A_178] in [0] : vector<16xf32>, vector<16xi32> -> vector<16xf32>
          %lt3A_180 = arith.constant 0 : i32
          %lt3A_181 = vector.broadcast %lt3A_180 : i32 to vector<16xi32>
          %lt3A_182 = arith.cmpi slt, %broadcast_in_dim3A, %lt3A_181 : vector<16xi32>
          %add3A_183 = arith.constant 16 : i32
          %add3A_184 = vector.broadcast %add3A_183 : i32 to vector<16xi32>
          %add3A_185 = arith.addi %broadcast_in_dim3A, %add3A_184 : vector<16xi32>
          %select_n3A_186 = arith.select %lt3A_182, %add3A_185, %broadcast_in_dim3A : vector<16xi1>, vector<16xi32>
          %broadcast_in_dim3A_187 = vector.shape_cast %select_n3A_186 : vector<16xi32> to vector<16x1xi32>
          %gather3A_188 = vector.shape_cast %broadcast_in_dim3A_187 : vector<16x1xi32> to vector<16xi32>
          %gather3A_189 = tpu.dynamic_gather %get3A_138[%gather3A_188] in [0] : vector<16xf32>, vector<16xi32> -> vector<16xf32>
          %scan3A_190 = arith.constant 0 : i32
          %scan3A_191 = arith.constant 0 : i32
          %scan3A_192 = arith.constant 16 : i32
          %scan3A_193 = arith.addi %scan3A_191, %scan3A_192 : i32
          %scan3A_194 = arith.constant 1 : i32
          scf.for %scan3A_196 = %scan3A_191 to %scan3A_193 step %scan3A_194  : i32 {
            %mul3A_197 = arith.constant 16 : i32
            %mul3A_198 = arith.muli %scan3A_196, %mul3A_197 : i32
            %get3A_199 = arith.index_cast %scan3A_151 : i32 to index
            %get3A_200 = arith.index_cast %mul3A_198 : i32 to index
            %get3A_201 = tpu.vector_load %arg8[%get3A_199, %get3A_200] {strides = array<i32>} : memref<64x256xf32, #tpu.memory_space<vmem>>, vector<1x16xf32>,
            %get3A_202 = vector.shape_cast %get3A_201 : vector<1x16xf32> to vector<16xf32>
            %mul3A_203 = arith.mulf %get3A_202, %gather3A_159 : vector<16xf32>
            %add3A_204 = arith.constant 16 : i32
            %add3A_205 = arith.addi %add3A_204, %scan3A_151 : i32
            %get3A_206 = arith.index_cast %add3A_205 : i32 to index
            %get3A_207 = arith.index_cast %mul3A_198 : i32 to index
            %get3A_208 = tpu.vector_load %arg8[%get3A_206, %get3A_207] {strides = array<i32>} : memref<64x256xf32, #tpu.memory_space<vmem>>, vector<1x16xf32>,
            %get3A_209 = vector.shape_cast %get3A_208 : vector<1x16xf32> to vector<16xf32>
            %mul3A_210 = arith.mulf %get3A_209, %gather3A_169 : vector<16xf32>
            %add3A_211 = arith.addf %mul3A_203, %mul3A_210 : vector<16xf32>
            %add3A_212 = arith.constant 32 : i32
            %add3A_213 = arith.addi %add3A_212, %scan3A_151 : i32
            %get3A_214 = arith.index_cast %add3A_213 : i32 to index
            %get3A_215 = arith.index_cast %mul3A_198 : i32 to index
            %get3A_216 = tpu.vector_load %arg8[%get3A_214, %get3A_215] {strides = array<i32>} : memref<64x256xf32, #tpu.memory_space<vmem>>, vector<1x16xf32>,
            %get3A_217 = vector.shape_cast %get3A_216 : vector<1x16xf32> to vector<16xf32>
            %mul3A_218 = arith.mulf %get3A_217, %gather3A_179 : vector<16xf32>
            %add3A_219 = arith.addf %add3A_211, %mul3A_218 : vector<16xf32>
            %add3A_220 = arith.constant 48 : i32
            %add3A_221 = arith.addi %add3A_220, %scan3A_151 : i32
            %get3A_222 = arith.index_cast %add3A_221 : i32 to index
            %get3A_223 = arith.index_cast %mul3A_198 : i32 to index
            %get3A_224 = tpu.vector_load %arg8[%get3A_222, %get3A_223] {strides = array<i32>} : memref<64x256xf32, #tpu.memory_space<vmem>>, vector<1x16xf32>,
            %get3A_225 = vector.shape_cast %get3A_224 : vector<1x16xf32> to vector<16xf32>
            %mul3A_226 = arith.mulf %get3A_225, %gather3A_189 : vector<16xf32>
            %add3A_227 = arith.addf %add3A_219, %mul3A_226 : vector<16xf32>
            %swap3A = arith.index_cast %scan3A_151 : i32 to index
            %swap3A_228 = arith.index_cast %mul3A_198 : i32 to index
            %swap3A_229 = tpu.vector_load %arg10[%swap3A, %swap3A_228] {strides = array<i32>} : memref<16x256xf32, #tpu.memory_space<vmem>>, vector<1x16xf32>,
            %swap3A_230 = vector.shape_cast %swap3A_229 : vector<1x16xf32> to vector<16xf32>
            %swap3A_231 = vector.shape_cast %add3A_227 : vector<16xf32> to vector<1x16xf32>
            tpu.vector_store %arg10[%swap3A, %swap3A_228], %swap3A_231 {strides = array<i32>} : memref<16x256xf32, #tpu.memory_space<vmem>>, vector<1x16xf32>,
          }
          %scan3A_195 = arith.constant 16 : i32
        }
        %scan3A_144 = arith.constant 16 : i32
        %mul3A_145 = arith.constant 16 : i32
        %mul3A_146 = arith.muli %add3A_47, %mul3A_145 : i32
        %add3A_147 = arith.addi %mul3A_2, %mul3A_146 : i32
        %dma_start3A = arith.constant 0 : i32
        %dma_start3A_148 = tpu.memref_slice %arg5[%add3A_147, %dma_start3A] : memref<98000x256xf32, #tpu.memory_space<hbm>> -> memref<16x256xf32, #tpu.memory_space<hbm>>
        %dma_start3A_149 = arith.constant 0 : i32
        %dma_start3A_150 = tpu.memref_slice %arg5[%add3A_147, %dma_start3A_149] : memref<98000x256xf32, #tpu.memory_space<hbm>> -> memref<16x256xf32, #tpu.memory_space<hbm>>
        tpu.enqueue_dma source(%arg10 : memref<16x256xf32, #tpu.memory_space<vmem>>) target(%dma_start3A_150 : memref<16x256xf32, #tpu.memory_space<hbm>>) target_semaphore(%arg14 : memref<!tpu.dma_semaphore, #tpu.memory_space<semaphore_mem>>)
      } else {
      }
      %mul3A_51 = arith.constant 2 : i32
      %mul3A_52 = arith.muli %mul3A_51, %scan3A_43 : i32
      %add3A_53 = arith.constant 1 : i32
      %add3A_54 = arith.addi %mul3A_52, %add3A_53 : i32
      %lt3A_55 = arith.cmpi slt, %add3A_54, %min3A_6 : i32
      %convert_element_type3A_56 = arith.extui %lt3A_55 : i1 to i32
      %cond3A_57 = arith.constant 0 : i32
      %cond3A_58 = arith.cmpi ne, %convert_element_type3A_56, %cond3A_57 : i32
      scf.if %cond3A_58 {
        %add3A_59 = arith.constant 1 : i32
        %add3A_60 = arith.addi %add3A_54, %add3A_59 : i32
        %lt3A_61 = arith.cmpi slt, %add3A_60, %min3A_6 : i32
        %convert_element_type3A_62 = arith.extui %lt3A_61 : i1 to i32
        %cond3A_63 = arith.constant 0 : i32
        %cond3A_64 = arith.cmpi ne, %convert_element_type3A_62, %cond3A_63 : i32
        scf.if %cond3A_64 {
          %add3A_151 = arith.constant 1 : i32
          %add3A_152 = arith.addi %add3A_54, %add3A_151 : i32
          %mul3A_153 = arith.constant 16 : i32
          %mul3A_154 = arith.muli %add3A_152, %mul3A_153 : i32
          %mul3A_155 = arith.constant 16 : i32
          %mul3A_156 = arith.muli %add3A_152, %mul3A_155 : i32
          %mul3A_157 = arith.constant 16 : i32
          %mul3A_158 = arith.muli %add3A_152, %mul3A_157 : i32
          %mul3A_159 = arith.constant 16 : i32
          %mul3A_160 = arith.muli %add3A_152, %mul3A_159 : i32
          %dma_start3A_161 = arith.constant 0 : i32
          %dma_start3A_162 = arith.constant 0 : i32
          %dma_start3A_163 = arith.constant 0 : i32
          %dma_start3A_164 = tpu.memref_slice %arg8[%dma_start3A_162, %dma_start3A_163] : memref<64x256xf32, #tpu.memory_space<vmem>> -> memref<16x256xf32, #tpu.memory_space<vmem>>
          %dma_start3A_165 = tpu.memref_slice %arg6[%dma_start3A_161, %mul3A_154] : memref<4x3072xi32, #tpu.memory_space<vmem>> -> memref<1x16xi32, #tpu.memory_space<vmem>>
          %dma_start3A_166 = tpu.memref_squeeze %dma_start3A_165 : memref<1x16xi32, #tpu.memory_space<vmem>> -> memref<16xi32, #tpu.memory_space<vmem>>
          %dma_start3A_167 = arith.constant 0 : i32
          %dma_start3A_168 = arith.constant 0 : i32
          %dma_start3A_169 = tpu.memref_slice %arg2[%dma_start3A_167, %dma_start3A_168] : memref<131072x256xf32, #tpu.memory_space<hbm>> -> memref<131072x256xf32, #tpu.memory_space<hbm>>
          tpu.enqueue_indirect_dma source(%dma_start3A_169 : memref<131072x256xf32, #tpu.memory_space<hbm>>) target(%dma_start3A_164 : memref<16x256xf32, #tpu.memory_space<vmem>>) offsets(%dma_start3A_166 : memref<16xi32, #tpu.memory_space<vmem>>) semaphore(%arg12 : memref<!tpu.dma_semaphore, #tpu.memory_space<semaphore_mem>>)
          %dma_start3A_170 = arith.constant 1 : i32
          %dma_start3A_171 = arith.constant 16 : i32
          %dma_start3A_172 = arith.constant 0 : i32
          %dma_start3A_173 = tpu.memref_slice %arg8[%dma_start3A_171, %dma_start3A_172] : memref<64x256xf32, #tpu.memory_space<vmem>> -> memref<16x256xf32, #tpu.memory_space<vmem>>
          %dma_start3A_174 = tpu.memref_slice %arg6[%dma_start3A_170, %mul3A_156] : memref<4x3072xi32, #tpu.memory_space<vmem>> -> memref<1x16xi32, #tpu.memory_space<vmem>>
          %dma_start3A_175 = tpu.memref_squeeze %dma_start3A_174 : memref<1x16xi32, #tpu.memory_space<vmem>> -> memref<16xi32, #tpu.memory_space<vmem>>
          %dma_start3A_176 = arith.constant 0 : i32
          %dma_start3A_177 = arith.constant 0 : i32
          %dma_start3A_178 = tpu.memref_slice %arg2[%dma_start3A_176, %dma_start3A_177] : memref<131072x256xf32, #tpu.memory_space<hbm>> -> memref<131072x256xf32, #tpu.memory_space<hbm>>
          tpu.enqueue_indirect_dma source(%dma_start3A_178 : memref<131072x256xf32, #tpu.memory_space<hbm>>) target(%dma_start3A_173 : memref<16x256xf32, #tpu.memory_space<vmem>>) offsets(%dma_start3A_175 : memref<16xi32, #tpu.memory_space<vmem>>) semaphore(%arg12 : memref<!tpu.dma_semaphore, #tpu.memory_space<semaphore_mem>>)
          %dma_start3A_179 = arith.constant 2 : i32
          %dma_start3A_180 = arith.constant 32 : i32
          %dma_start3A_181 = arith.constant 0 : i32
          %dma_start3A_182 = tpu.memref_slice %arg8[%dma_start3A_180, %dma_start3A_181] : memref<64x256xf32, #tpu.memory_space<vmem>> -> memref<16x256xf32, #tpu.memory_space<vmem>>
          %dma_start3A_183 = tpu.memref_slice %arg6[%dma_start3A_179, %mul3A_158] : memref<4x3072xi32, #tpu.memory_space<vmem>> -> memref<1x16xi32, #tpu.memory_space<vmem>>
          %dma_start3A_184 = tpu.memref_squeeze %dma_start3A_183 : memref<1x16xi32, #tpu.memory_space<vmem>> -> memref<16xi32, #tpu.memory_space<vmem>>
          %dma_start3A_185 = arith.constant 0 : i32
          %dma_start3A_186 = arith.constant 0 : i32
          %dma_start3A_187 = tpu.memref_slice %arg2[%dma_start3A_185, %dma_start3A_186] : memref<131072x256xf32, #tpu.memory_space<hbm>> -> memref<131072x256xf32, #tpu.memory_space<hbm>>
          tpu.enqueue_indirect_dma source(%dma_start3A_187 : memref<131072x256xf32, #tpu.memory_space<hbm>>) target(%dma_start3A_182 : memref<16x256xf32, #tpu.memory_space<vmem>>) offsets(%dma_start3A_184 : memref<16xi32, #tpu.memory_space<vmem>>) semaphore(%arg12 : memref<!tpu.dma_semaphore, #tpu.memory_space<semaphore_mem>>)
          %dma_start3A_188 = arith.constant 3 : i32
          %dma_start3A_189 = arith.constant 48 : i32
          %dma_start3A_190 = arith.constant 0 : i32
          %dma_start3A_191 = tpu.memref_slice %arg8[%dma_start3A_189, %dma_start3A_190] : memref<64x256xf32, #tpu.memory_space<vmem>> -> memref<16x256xf32, #tpu.memory_space<vmem>>
          %dma_start3A_192 = tpu.memref_slice %arg6[%dma_start3A_188, %mul3A_160] : memref<4x3072xi32, #tpu.memory_space<vmem>> -> memref<1x16xi32, #tpu.memory_space<vmem>>
          %dma_start3A_193 = tpu.memref_squeeze %dma_start3A_192 : memref<1x16xi32, #tpu.memory_space<vmem>> -> memref<16xi32, #tpu.memory_space<vmem>>
          %dma_start3A_194 = arith.constant 0 : i32
          %dma_start3A_195 = arith.constant 0 : i32
          %dma_start3A_196 = tpu.memref_slice %arg2[%dma_start3A_194, %dma_start3A_195] : memref<131072x256xf32, #tpu.memory_space<hbm>> -> memref<131072x256xf32, #tpu.memory_space<hbm>>
          tpu.enqueue_indirect_dma source(%dma_start3A_196 : memref<131072x256xf32, #tpu.memory_space<hbm>>) target(%dma_start3A_191 : memref<16x256xf32, #tpu.memory_space<vmem>>) offsets(%dma_start3A_193 : memref<16xi32, #tpu.memory_space<vmem>>) semaphore(%arg12 : memref<!tpu.dma_semaphore, #tpu.memory_space<semaphore_mem>>)
        } else {
        }
        %mul3A_65 = arith.constant 16 : i32
        %mul3A_66 = arith.muli %add3A_54, %mul3A_65 : i32
        %mul3A_67 = arith.constant 16 : i32
        %mul3A_68 = arith.muli %add3A_54, %mul3A_67 : i32
        %mul3A_69 = arith.constant 16 : i32
        %mul3A_70 = arith.muli %add3A_54, %mul3A_69 : i32
        %mul3A_71 = arith.constant 16 : i32
        %mul3A_72 = arith.muli %add3A_54, %mul3A_71 : i32
        %dma_wait3A = arith.constant 0 : i32
        %dma_wait3A_73 = arith.constant 0 : i32
        %dma_wait3A_74 = arith.constant 0 : i32
        %dma_wait3A_75 = tpu.memref_slice %arg9[%dma_wait3A_73, %dma_wait3A_74] : memref<64x256xf32, #tpu.memory_space<vmem>> -> memref<16x256xf32, #tpu.memory_space<vmem>>
        %dma_wait3A_76 = tpu.memref_slice %arg6[%dma_wait3A, %mul3A_66] : memref<4x3072xi32, #tpu.memory_space<vmem>> -> memref<1x16xi32, #tpu.memory_space<vmem>>
        %dma_wait3A_77 = tpu.memref_squeeze %dma_wait3A_76 : memref<1x16xi32, #tpu.memory_space<vmem>> -> memref<16xi32, #tpu.memory_space<vmem>>
        %dma_wait3A_78 = arith.constant 0 : i32
        %dma_wait3A_79 = arith.constant 0 : i32
        %dma_wait3A_80 = tpu.memref_slice %arg2[%dma_wait3A_78, %dma_wait3A_79] : memref<131072x256xf32, #tpu.memory_space<hbm>> -> memref<131072x256xf32, #tpu.memory_space<hbm>>
        tpu.wait_indirect_dma semaphore(%arg13 : memref<!tpu.dma_semaphore, #tpu.memory_space<semaphore_mem>>) src(%dma_wait3A_80 : memref<131072x256xf32, #tpu.memory_space<hbm>>) dst(%dma_wait3A_75 : memref<16x256xf32, #tpu.memory_space<vmem>>)
        %dma_wait3A_81 = arith.constant 1 : i32
        %dma_wait3A_82 = arith.constant 16 : i32
        %dma_wait3A_83 = arith.constant 0 : i32
        %dma_wait3A_84 = tpu.memref_slice %arg9[%dma_wait3A_82, %dma_wait3A_83] : memref<64x256xf32, #tpu.memory_space<vmem>> -> memref<16x256xf32, #tpu.memory_space<vmem>>
        %dma_wait3A_85 = tpu.memref_slice %arg6[%dma_wait3A_81, %mul3A_68] : memref<4x3072xi32, #tpu.memory_space<vmem>> -> memref<1x16xi32, #tpu.memory_space<vmem>>
        %dma_wait3A_86 = tpu.memref_squeeze %dma_wait3A_85 : memref<1x16xi32, #tpu.memory_space<vmem>> -> memref<16xi32, #tpu.memory_space<vmem>>
        %dma_wait3A_87 = arith.constant 0 : i32
        %dma_wait3A_88 = arith.constant 0 : i32
        %dma_wait3A_89 = tpu.memref_slice %arg2[%dma_wait3A_87, %dma_wait3A_88] : memref<131072x256xf32, #tpu.memory_space<hbm>> -> memref<131072x256xf32, #tpu.memory_space<hbm>>
        tpu.wait_indirect_dma semaphore(%arg13 : memref<!tpu.dma_semaphore, #tpu.memory_space<semaphore_mem>>) src(%dma_wait3A_89 : memref<131072x256xf32, #tpu.memory_space<hbm>>) dst(%dma_wait3A_84 : memref<16x256xf32, #tpu.memory_space<vmem>>)
        %dma_wait3A_90 = arith.constant 2 : i32
        %dma_wait3A_91 = arith.constant 32 : i32
        %dma_wait3A_92 = arith.constant 0 : i32
        %dma_wait3A_93 = tpu.memref_slice %arg9[%dma_wait3A_91, %dma_wait3A_92] : memref<64x256xf32, #tpu.memory_space<vmem>> -> memref<16x256xf32, #tpu.memory_space<vmem>>
        %dma_wait3A_94 = tpu.memref_slice %arg6[%dma_wait3A_90, %mul3A_70] : memref<4x3072xi32, #tpu.memory_space<vmem>> -> memref<1x16xi32, #tpu.memory_space<vmem>>
        %dma_wait3A_95 = tpu.memref_squeeze %dma_wait3A_94 : memref<1x16xi32, #tpu.memory_space<vmem>> -> memref<16xi32, #tpu.memory_space<vmem>>
        %dma_wait3A_96 = arith.constant 0 : i32
        %dma_wait3A_97 = arith.constant 0 : i32
        %dma_wait3A_98 = tpu.memref_slice %arg2[%dma_wait3A_96, %dma_wait3A_97] : memref<131072x256xf32, #tpu.memory_space<hbm>> -> memref<131072x256xf32, #tpu.memory_space<hbm>>
        tpu.wait_indirect_dma semaphore(%arg13 : memref<!tpu.dma_semaphore, #tpu.memory_space<semaphore_mem>>) src(%dma_wait3A_98 : memref<131072x256xf32, #tpu.memory_space<hbm>>) dst(%dma_wait3A_93 : memref<16x256xf32, #tpu.memory_space<vmem>>)
        %dma_wait3A_99 = arith.constant 3 : i32
        %dma_wait3A_100 = arith.constant 48 : i32
        %dma_wait3A_101 = arith.constant 0 : i32
        %dma_wait3A_102 = tpu.memref_slice %arg9[%dma_wait3A_100, %dma_wait3A_101] : memref<64x256xf32, #tpu.memory_space<vmem>> -> memref<16x256xf32, #tpu.memory_space<vmem>>
        %dma_wait3A_103 = tpu.memref_slice %arg6[%dma_wait3A_99, %mul3A_72] : memref<4x3072xi32, #tpu.memory_space<vmem>> -> memref<1x16xi32, #tpu.memory_space<vmem>>
        %dma_wait3A_104 = tpu.memref_squeeze %dma_wait3A_103 : memref<1x16xi32, #tpu.memory_space<vmem>> -> memref<16xi32, #tpu.memory_space<vmem>>
        %dma_wait3A_105 = arith.constant 0 : i32
        %dma_wait3A_106 = arith.constant 0 : i32
        %dma_wait3A_107 = tpu.memref_slice %arg2[%dma_wait3A_105, %dma_wait3A_106] : memref<131072x256xf32, #tpu.memory_space<hbm>> -> memref<131072x256xf32, #tpu.memory_space<hbm>>
        tpu.wait_indirect_dma semaphore(%arg13 : memref<!tpu.dma_semaphore, #tpu.memory_space<semaphore_mem>>) src(%dma_wait3A_107 : memref<131072x256xf32, #tpu.memory_space<hbm>>) dst(%dma_wait3A_102 : memref<16x256xf32, #tpu.memory_space<vmem>>)
        %ge3A = arith.constant 2 : i32
        %ge3A_108 = arith.cmpi sge, %add3A_54, %ge3A : i32
        %convert_element_type3A_109 = arith.extui %ge3A_108 : i1 to i32
        %cond3A_110 = arith.constant 0 : i32
        %cond3A_111 = arith.cmpi ne, %convert_element_type3A_109, %cond3A_110 : i32
        scf.if %cond3A_111 {
          %sub3A_151 = arith.constant 2 : i32
          %sub3A_152 = arith.subi %add3A_54, %sub3A_151 : i32
          %mul3A_153 = arith.constant 16 : i32
          %mul3A_154 = arith.muli %sub3A_152, %mul3A_153 : i32
          %add3A_155 = arith.addi %mul3A_2, %mul3A_154 : i32
          %dma_wait3A_156 = arith.constant 0 : i32
          %dma_wait3A_157 = tpu.memref_slice %arg5[%add3A_155, %dma_wait3A_156] : memref<98000x256xf32, #tpu.memory_space<hbm>> -> memref<16x256xf32, #tpu.memory_space<hbm>>
          %dma_wait3A_158 = arith.constant 0 : i32
          %dma_wait3A_159 = tpu.memref_slice %arg5[%add3A_155, %dma_wait3A_158] : memref<98000x256xf32, #tpu.memory_space<hbm>> -> memref<16x256xf32, #tpu.memory_space<hbm>>
          tpu.wait_dma2 semaphore(%arg15 : memref<!tpu.dma_semaphore, #tpu.memory_space<semaphore_mem>>) src(%arg11 : memref<16x256xf32, #tpu.memory_space<vmem>>) dst(%dma_wait3A_159 : memref<16x256xf32, #tpu.memory_space<hbm>>)
        } else {
        }
        %mul3A_112 = arith.constant 16 : i32
        %mul3A_113 = arith.muli %add3A_54, %mul3A_112 : i32
        %add3A_114 = arith.constant 0 : i32
        %add3A_115 = arith.addi %add3A_114, %mul3A_113 : i32
        %get3A = arith.index_cast %add3A_115 : i32 to index
        %get3A_116 = tpu.vector_load %arg7[%get3A] {strides = array<i32>} : memref<12288xf32, #tpu.memory_space<vmem>>, vector<16xf32>,
        %get3A_117 = vector.shape_cast %get3A_116 : vector<16xf32> to vector<16xf32>
        %mul3A_118 = arith.constant 16 : i32
        %mul3A_119 = arith.muli %add3A_54, %mul3A_118 : i32
        %add3A_120 = arith.constant 3072 : i32
        %add3A_121 = arith.addi %add3A_120, %mul3A_119 : i32
        %get3A_122 = arith.index_cast %add3A_121 : i32 to index
        %get3A_123 = tpu.vector_load %arg7[%get3A_122] {strides = array<i32>} : memref<12288xf32, #tpu.memory_space<vmem>>, vector<16xf32>,
        %get3A_124 = vector.shape_cast %get3A_123 : vector<16xf32> to vector<16xf32>
        %mul3A_125 = arith.constant 16 : i32
        %mul3A_126 = arith.muli %add3A_54, %mul3A_125 : i32
        %add3A_127 = arith.constant 6144 : i32
        %add3A_128 = arith.addi %add3A_127, %mul3A_126 : i32
        %get3A_129 = arith.index_cast %add3A_128 : i32 to index
        %get3A_130 = tpu.vector_load %arg7[%get3A_129] {strides = array<i32>} : memref<12288xf32, #tpu.memory_space<vmem>>, vector<16xf32>,
        %get3A_131 = vector.shape_cast %get3A_130 : vector<16xf32> to vector<16xf32>
        %mul3A_132 = arith.constant 16 : i32
        %mul3A_133 = arith.muli %add3A_54, %mul3A_132 : i32
        %add3A_134 = arith.constant 9216 : i32
        %add3A_135 = arith.addi %add3A_134, %mul3A_133 : i32
        %get3A_136 = arith.index_cast %add3A_135 : i32 to index
        %get3A_137 = tpu.vector_load %arg7[%get3A_136] {strides = array<i32>} : memref<12288xf32, #tpu.memory_space<vmem>>, vector<16xf32>,
        %get3A_138 = vector.shape_cast %get3A_137 : vector<16xf32> to vector<16xf32>
        %scan3A_139 = arith.constant 0 : i32
        %scan3A_140 = arith.constant 0 : i32
        %scan3A_141 = arith.constant 16 : i32
        %scan3A_142 = arith.addi %scan3A_140, %scan3A_141 : i32
        %scan3A_143 = arith.constant 1 : i32
        scf.for %scan3A_151 = %scan3A_140 to %scan3A_142 step %scan3A_143  : i32 {
          %broadcast_in_dim3A = vector.broadcast %scan3A_151 : i32 to vector<16xi32>
          %lt3A_152 = arith.constant 0 : i32
          %lt3A_153 = vector.broadcast %lt3A_152 : i32 to vector<16xi32>
          %lt3A_154 = arith.cmpi slt, %broadcast_in_dim3A, %lt3A_153 : vector<16xi32>
          %add3A_155 = arith.constant 16 : i32
          %add3A_156 = vector.broadcast %add3A_155 : i32 to vector<16xi32>
          %add3A_157 = arith.addi %broadcast_in_dim3A, %add3A_156 : vector<16xi32>
          %select_n3A = arith.select %lt3A_154, %add3A_157, %broadcast_in_dim3A : vector<16xi1>, vector<16xi32>
          %broadcast_in_dim3A_158 = vector.shape_cast %select_n3A : vector<16xi32> to vector<16x1xi32>
          %gather3A = vector.shape_cast %broadcast_in_dim3A_158 : vector<16x1xi32> to vector<16xi32>
          %gather3A_159 = tpu.dynamic_gather %get3A_117[%gather3A] in [0] : vector<16xf32>, vector<16xi32> -> vector<16xf32>
          %lt3A_160 = arith.constant 0 : i32
          %lt3A_161 = vector.broadcast %lt3A_160 : i32 to vector<16xi32>
          %lt3A_162 = arith.cmpi slt, %broadcast_in_dim3A, %lt3A_161 : vector<16xi32>
          %add3A_163 = arith.constant 16 : i32
          %add3A_164 = vector.broadcast %add3A_163 : i32 to vector<16xi32>
          %add3A_165 = arith.addi %broadcast_in_dim3A, %add3A_164 : vector<16xi32>
          %select_n3A_166 = arith.select %lt3A_162, %add3A_165, %broadcast_in_dim3A : vector<16xi1>, vector<16xi32>
          %broadcast_in_dim3A_167 = vector.shape_cast %select_n3A_166 : vector<16xi32> to vector<16x1xi32>
          %gather3A_168 = vector.shape_cast %broadcast_in_dim3A_167 : vector<16x1xi32> to vector<16xi32>
          %gather3A_169 = tpu.dynamic_gather %get3A_124[%gather3A_168] in [0] : vector<16xf32>, vector<16xi32> -> vector<16xf32>
          %lt3A_170 = arith.constant 0 : i32
          %lt3A_171 = vector.broadcast %lt3A_170 : i32 to vector<16xi32>
          %lt3A_172 = arith.cmpi slt, %broadcast_in_dim3A, %lt3A_171 : vector<16xi32>
          %add3A_173 = arith.constant 16 : i32
          %add3A_174 = vector.broadcast %add3A_173 : i32 to vector<16xi32>
          %add3A_175 = arith.addi %broadcast_in_dim3A, %add3A_174 : vector<16xi32>
          %select_n3A_176 = arith.select %lt3A_172, %add3A_175, %broadcast_in_dim3A : vector<16xi1>, vector<16xi32>
          %broadcast_in_dim3A_177 = vector.shape_cast %select_n3A_176 : vector<16xi32> to vector<16x1xi32>
          %gather3A_178 = vector.shape_cast %broadcast_in_dim3A_177 : vector<16x1xi32> to vector<16xi32>
          %gather3A_179 = tpu.dynamic_gather %get3A_131[%gather3A_178] in [0] : vector<16xf32>, vector<16xi32> -> vector<16xf32>
          %lt3A_180 = arith.constant 0 : i32
          %lt3A_181 = vector.broadcast %lt3A_180 : i32 to vector<16xi32>
          %lt3A_182 = arith.cmpi slt, %broadcast_in_dim3A, %lt3A_181 : vector<16xi32>
          %add3A_183 = arith.constant 16 : i32
          %add3A_184 = vector.broadcast %add3A_183 : i32 to vector<16xi32>
          %add3A_185 = arith.addi %broadcast_in_dim3A, %add3A_184 : vector<16xi32>
          %select_n3A_186 = arith.select %lt3A_182, %add3A_185, %broadcast_in_dim3A : vector<16xi1>, vector<16xi32>
          %broadcast_in_dim3A_187 = vector.shape_cast %select_n3A_186 : vector<16xi32> to vector<16x1xi32>
          %gather3A_188 = vector.shape_cast %broadcast_in_dim3A_187 : vector<16x1xi32> to vector<16xi32>
          %gather3A_189 = tpu.dynamic_gather %get3A_138[%gather3A_188] in [0] : vector<16xf32>, vector<16xi32> -> vector<16xf32>
          %scan3A_190 = arith.constant 0 : i32
          %scan3A_191 = arith.constant 0 : i32
          %scan3A_192 = arith.constant 16 : i32
          %scan3A_193 = arith.addi %scan3A_191, %scan3A_192 : i32
          %scan3A_194 = arith.constant 1 : i32
          scf.for %scan3A_196 = %scan3A_191 to %scan3A_193 step %scan3A_194  : i32 {
            %mul3A_197 = arith.constant 16 : i32
            %mul3A_198 = arith.muli %scan3A_196, %mul3A_197 : i32
            %get3A_199 = arith.index_cast %scan3A_151 : i32 to index
            %get3A_200 = arith.index_cast %mul3A_198 : i32 to index
            %get3A_201 = tpu.vector_load %arg9[%get3A_199, %get3A_200] {strides = array<i32>} : memref<64x256xf32, #tpu.memory_space<vmem>>, vector<1x16xf32>,
            %get3A_202 = vector.shape_cast %get3A_201 : vector<1x16xf32> to vector<16xf32>
            %mul3A_203 = arith.mulf %get3A_202, %gather3A_159 : vector<16xf32>
            %add3A_204 = arith.constant 16 : i32
            %add3A_205 = arith.addi %add3A_204, %scan3A_151 : i32
            %get3A_206 = arith.index_cast %add3A_205 : i32 to index
            %get3A_207 = arith.index_cast %mul3A_198 : i32 to index
            %get3A_208 = tpu.vector_load %arg9[%get3A_206, %get3A_207] {strides = array<i32>} : memref<64x256xf32, #tpu.memory_space<vmem>>, vector<1x16xf32>,
            %get3A_209 = vector.shape_cast %get3A_208 : vector<1x16xf32> to vector<16xf32>
            %mul3A_210 = arith.mulf %get3A_209, %gather3A_169 : vector<16xf32>
            %add3A_211 = arith.addf %mul3A_203, %mul3A_210 : vector<16xf32>
            %add3A_212 = arith.constant 32 : i32
            %add3A_213 = arith.addi %add3A_212, %scan3A_151 : i32
            %get3A_214 = arith.index_cast %add3A_213 : i32 to index
            %get3A_215 = arith.index_cast %mul3A_198 : i32 to index
            %get3A_216 = tpu.vector_load %arg9[%get3A_214, %get3A_215] {strides = array<i32>} : memref<64x256xf32, #tpu.memory_space<vmem>>, vector<1x16xf32>,
            %get3A_217 = vector.shape_cast %get3A_216 : vector<1x16xf32> to vector<16xf32>
            %mul3A_218 = arith.mulf %get3A_217, %gather3A_179 : vector<16xf32>
            %add3A_219 = arith.addf %add3A_211, %mul3A_218 : vector<16xf32>
            %add3A_220 = arith.constant 48 : i32
            %add3A_221 = arith.addi %add3A_220, %scan3A_151 : i32
            %get3A_222 = arith.index_cast %add3A_221 : i32 to index
            %get3A_223 = arith.index_cast %mul3A_198 : i32 to index
            %get3A_224 = tpu.vector_load %arg9[%get3A_222, %get3A_223] {strides = array<i32>} : memref<64x256xf32, #tpu.memory_space<vmem>>, vector<1x16xf32>,
            %get3A_225 = vector.shape_cast %get3A_224 : vector<1x16xf32> to vector<16xf32>
            %mul3A_226 = arith.mulf %get3A_225, %gather3A_189 : vector<16xf32>
            %add3A_227 = arith.addf %add3A_219, %mul3A_226 : vector<16xf32>
            %swap3A = arith.index_cast %scan3A_151 : i32 to index
            %swap3A_228 = arith.index_cast %mul3A_198 : i32 to index
            %swap3A_229 = tpu.vector_load %arg11[%swap3A, %swap3A_228] {strides = array<i32>} : memref<16x256xf32, #tpu.memory_space<vmem>>, vector<1x16xf32>,
            %swap3A_230 = vector.shape_cast %swap3A_229 : vector<1x16xf32> to vector<16xf32>
            %swap3A_231 = vector.shape_cast %add3A_227 : vector<16xf32> to vector<1x16xf32>
            tpu.vector_store %arg11[%swap3A, %swap3A_228], %swap3A_231 {strides = array<i32>} : memref<16x256xf32, #tpu.memory_space<vmem>>, vector<1x16xf32>,
          }
          %scan3A_195 = arith.constant 16 : i32
        }
        %scan3A_144 = arith.constant 16 : i32
        %mul3A_145 = arith.constant 16 : i32
        %mul3A_146 = arith.muli %add3A_54, %mul3A_145 : i32
        %add3A_147 = arith.addi %mul3A_2, %mul3A_146 : i32
        %dma_start3A = arith.constant 0 : i32
        %dma_start3A_148 = tpu.memref_slice %arg5[%add3A_147, %dma_start3A] : memref<98000x256xf32, #tpu.memory_space<hbm>> -> memref<16x256xf32, #tpu.memory_space<hbm>>
        %dma_start3A_149 = arith.constant 0 : i32
        %dma_start3A_150 = tpu.memref_slice %arg5[%add3A_147, %dma_start3A_149] : memref<98000x256xf32, #tpu.memory_space<hbm>> -> memref<16x256xf32, #tpu.memory_space<hbm>>
        tpu.enqueue_dma source(%arg11 : memref<16x256xf32, #tpu.memory_space<vmem>>) target(%dma_start3A_150 : memref<16x256xf32, #tpu.memory_space<hbm>>) target_semaphore(%arg15 : memref<!tpu.dma_semaphore, #tpu.memory_space<semaphore_mem>>)
      } else {
      }
    }
    %scan3A_32 = arith.constant 96 : i32
    %gt3A_33 = arith.constant 0 : i32
    %gt3A_34 = arith.cmpi sgt, %min3A_6, %gt3A_33 : i32
    %convert_element_type3A_35 = arith.extui %gt3A_34 : i1 to i32
    %cond3A_36 = arith.constant 0 : i32
    %cond3A_37 = arith.cmpi ne, %convert_element_type3A_35, %cond3A_36 : i32
    scf.if %cond3A_37 {
      %add3A_43 = arith.constant 0 : i32
      %add3A_44 = arith.addi %mul3A_2, %add3A_43 : i32
      %dma_wait3A = arith.constant 0 : i32
      %dma_wait3A_45 = tpu.memref_slice %arg5[%add3A_44, %dma_wait3A] : memref<98000x256xf32, #tpu.memory_space<hbm>> -> memref<16x256xf32, #tpu.memory_space<hbm>>
      %dma_wait3A_46 = arith.constant 0 : i32
      %dma_wait3A_47 = tpu.memref_slice %arg5[%add3A_44, %dma_wait3A_46] : memref<98000x256xf32, #tpu.memory_space<hbm>> -> memref<16x256xf32, #tpu.memory_space<hbm>>
      tpu.wait_dma2 semaphore(%arg14 : memref<!tpu.dma_semaphore, #tpu.memory_space<semaphore_mem>>) src(%arg10 : memref<16x256xf32, #tpu.memory_space<vmem>>) dst(%dma_wait3A_47 : memref<16x256xf32, #tpu.memory_space<hbm>>)
    } else {
    }
    %gt3A_38 = arith.constant 1 : i32
    %gt3A_39 = arith.cmpi sgt, %min3A_6, %gt3A_38 : i32
    %convert_element_type3A_40 = arith.extui %gt3A_39 : i1 to i32
    %cond3A_41 = arith.constant 0 : i32
    %cond3A_42 = arith.cmpi ne, %convert_element_type3A_40, %cond3A_41 : i32
    scf.if %cond3A_42 {
      %add3A_43 = arith.constant 0 : i32
      %add3A_44 = arith.addi %mul3A_2, %add3A_43 : i32
      %dma_wait3A = arith.constant 0 : i32
      %dma_wait3A_45 = tpu.memref_slice %arg5[%add3A_44, %dma_wait3A] : memref<98000x256xf32, #tpu.memory_space<hbm>> -> memref<16x256xf32, #tpu.memory_space<hbm>>
      %dma_wait3A_46 = arith.constant 0 : i32
      %dma_wait3A_47 = tpu.memref_slice %arg5[%add3A_44, %dma_wait3A_46] : memref<98000x256xf32, #tpu.memory_space<hbm>> -> memref<16x256xf32, #tpu.memory_space<hbm>>
      tpu.wait_dma2 semaphore(%arg15 : memref<!tpu.dma_semaphore, #tpu.memory_space<semaphore_mem>>) src(%arg11 : memref<16x256xf32, #tpu.memory_space<vmem>>) dst(%dma_wait3A_47 : memref<16x256xf32, #tpu.memory_space<hbm>>)
    } else {
    }
    return
  }
}

module attributes {stable_mosaic.version = 14 : i64} {
  func.func @_prep_body(%arg0: memref<2x1000x49xf32, #tpu.memory_space<vmem>>, %arg1: memref<2x1000x49xf32, #tpu.memory_space<vmem>>, %arg2: memref<2x1000x1xi32, #tpu.memory_space<vmem>>, %arg3: memref<2x4x1000x49xi32, #tpu.memory_space<vmem>>, %arg4: memref<2x4x1000x49xf32, #tpu.memory_space<vmem>>) attributes {dimension_semantics = [], scalar_prefetch = 0 : i64, scratch_operands = 0 : i64, tpu.core_type = #tpu.core_type<tc>} {
    %get3A = arith.constant 0 : index
    %get3A_0 = arith.constant 0 : index
    %get3A_1 = arith.constant 0 : index
    %get3A_2 = vector.load %arg0[%get3A, %get3A_0, %get3A_1] : memref<2x1000x49xf32, #tpu.memory_space<vmem>>, vector<1x1000x49xf32>
    %get3A_3 = vector.shape_cast %get3A_2 : vector<1x1000x49xf32> to vector<1000x49xf32>
    %get3A_4 = arith.constant 0 : index
    %get3A_5 = arith.constant 0 : index
    %get3A_6 = arith.constant 0 : index
    %get3A_7 = vector.load %arg1[%get3A_4, %get3A_5, %get3A_6] : memref<2x1000x49xf32, #tpu.memory_space<vmem>>, vector<1x1000x49xf32>
    %get3A_8 = vector.shape_cast %get3A_7 : vector<1x1000x49xf32> to vector<1000x49xf32>
    %get3A_9 = arith.constant 0 : index
    %get3A_10 = arith.constant 0 : index
    %get3A_11 = arith.constant 0 : index
    %get3A_12 = vector.load %arg2[%get3A_9, %get3A_10, %get3A_11] : memref<2x1000x1xi32, #tpu.memory_space<vmem>>, vector<1x1000x1xi32>
    %get3A_13 = vector.shape_cast %get3A_12 : vector<1x1000x1xi32> to vector<1000x1xi32>
    %ge3A = arith.constant 0.000000e+00 : f32
    %ge3A_14 = vector.broadcast %ge3A : f32 to vector<1000x49xf32>
    %ge3A_15 = arith.cmpf oge, %get3A_3, %ge3A_14 : vector<1000x49xf32>
    %sub3A = arith.constant 1.280000e+02 : f32
    %sub3A_16 = arith.constant 1.000000e+00 : f32
    %sub3A_17 = arith.subf %sub3A, %sub3A_16 : f32
    %le3A = vector.broadcast %sub3A_17 : f32 to vector<1000x49xf32>
    %le3A_18 = arith.cmpf ole, %get3A_3, %le3A : vector<1000x49xf32>
    %and3A = arith.andi %ge3A_15, %le3A_18 : vector<1000x49xi1>
    %ge3A_19 = arith.constant 0.000000e+00 : f32
    %ge3A_20 = vector.broadcast %ge3A_19 : f32 to vector<1000x49xf32>
    %ge3A_21 = arith.cmpf oge, %get3A_8, %ge3A_20 : vector<1000x49xf32>
    %and3A_22 = arith.andi %and3A, %ge3A_21 : vector<1000x49xi1>
    %sub3A_23 = arith.constant 1.280000e+02 : f32
    %sub3A_24 = arith.constant 1.000000e+00 : f32
    %sub3A_25 = arith.subf %sub3A_23, %sub3A_24 : f32
    %le3A_26 = vector.broadcast %sub3A_25 : f32 to vector<1000x49xf32>
    %le3A_27 = arith.cmpf ole, %get3A_8, %le3A_26 : vector<1000x49xf32>
    %and3A_28 = arith.andi %and3A_22, %le3A_27 : vector<1000x49xi1>
    %floor3A = math.floor %get3A_3 : vector<1000x49xf32>
    %floor3A_29 = math.floor %get3A_8 : vector<1000x49xf32>
    %sub3A_30 = arith.subf %get3A_3, %floor3A : vector<1000x49xf32>
    %sub3A_31 = arith.subf %get3A_8, %floor3A_29 : vector<1000x49xf32>
    %convert_element_type3A = arith.fptosi %floor3A : vector<1000x49xf32> to vector<1000x49xi32>
    %jit3A = arith.constant 0 : i32
    %jit3A_32 = arith.constant 127 : i32
    %max3A = vector.broadcast %jit3A : i32 to vector<1000x49xi32>
    %max3A_33 = arith.maxsi %max3A, %convert_element_type3A : vector<1000x49xi32>
    %min3A = vector.broadcast %jit3A_32 : i32 to vector<1000x49xi32>
    %min3A_34 = arith.minsi %min3A, %max3A_33 : vector<1000x49xi32>
    %convert_element_type3A_35 = arith.fptosi %floor3A_29 : vector<1000x49xf32> to vector<1000x49xi32>
    %jit3A_36 = arith.constant 0 : i32
    %jit3A_37 = arith.constant 127 : i32
    %max3A_38 = vector.broadcast %jit3A_36 : i32 to vector<1000x49xi32>
    %max3A_39 = arith.maxsi %max3A_38, %convert_element_type3A_35 : vector<1000x49xi32>
    %min3A_40 = vector.broadcast %jit3A_37 : i32 to vector<1000x49xi32>
    %min3A_41 = arith.minsi %min3A_40, %max3A_39 : vector<1000x49xi32>
    %add3A = arith.constant 1 : i32
    %add3A_42 = vector.broadcast %add3A : i32 to vector<1000x49xi32>
    %add3A_43 = arith.addi %min3A_34, %add3A_42 : vector<1000x49xi32>
    %min3A_44 = arith.constant 127 : i32
    %min3A_45 = vector.broadcast %min3A_44 : i32 to vector<1000x49xi32>
    %min3A_46 = arith.minsi %add3A_43, %min3A_45 : vector<1000x49xi32>
    %add3A_47 = arith.constant 1 : i32
    %add3A_48 = vector.broadcast %add3A_47 : i32 to vector<1000x49xi32>
    %add3A_49 = arith.addi %min3A_41, %add3A_48 : vector<1000x49xi32>
    %min3A_50 = arith.constant 127 : i32
    %min3A_51 = vector.broadcast %min3A_50 : i32 to vector<1000x49xi32>
    %min3A_52 = arith.minsi %add3A_49, %min3A_51 : vector<1000x49xi32>
    %mul3A = arith.constant 16384 : i32
    %mul3A_53 = vector.broadcast %mul3A : i32 to vector<1000x1xi32>
    %mul3A_54 = arith.muli %get3A_13, %mul3A_53 : vector<1000x1xi32>
    %add3A_55 = arith.constant 0 : i32
    %add3A_56 = vector.broadcast %add3A_55 : i32 to vector<1000x1xi32>
    %add3A_57 = arith.addi %mul3A_54, %add3A_56 : vector<1000x1xi32>
    %mul3A_58 = arith.constant 128 : i32
    %mul3A_59 = vector.broadcast %mul3A_58 : i32 to vector<1000x49xi32>
    %mul3A_60 = arith.muli %min3A_34, %mul3A_59 : vector<1000x49xi32>
    %add3A_61 = vector.broadcast %add3A_57 : vector<1000x1xi32> to vector<1000x49xi32>
    %add3A_62 = arith.addi %add3A_61, %mul3A_60 : vector<1000x49xi32>
    %mul3A_63 = arith.constant 128 : i32
    %mul3A_64 = vector.broadcast %mul3A_63 : i32 to vector<1000x49xi32>
    %mul3A_65 = arith.muli %min3A_46, %mul3A_64 : vector<1000x49xi32>
    %add3A_66 = vector.broadcast %add3A_57 : vector<1000x1xi32> to vector<1000x49xi32>
    %add3A_67 = arith.addi %add3A_66, %mul3A_65 : vector<1000x49xi32>
    %convert_element_type3A_68 = arith.extui %and3A_28 : vector<1000x49xi1> to vector<1000x49xi32>
    %convert_element_type3A_69 = arith.sitofp %convert_element_type3A_68 : vector<1000x49xi32> to vector<1000x49xf32>
    %sub3A_70 = arith.constant 1.000000e+00 : f32
    %sub3A_71 = vector.broadcast %sub3A_70 : f32 to vector<1000x49xf32>
    %sub3A_72 = arith.subf %sub3A_71, %sub3A_31 : vector<1000x49xf32>
    %sub3A_73 = arith.constant 1.000000e+00 : f32
    %sub3A_74 = vector.broadcast %sub3A_73 : f32 to vector<1000x49xf32>
    %sub3A_75 = arith.subf %sub3A_74, %sub3A_30 : vector<1000x49xf32>
    %add3A_76 = arith.addi %add3A_62, %min3A_41 : vector<1000x49xi32>
    %add3A_77 = arith.addi %add3A_62, %min3A_52 : vector<1000x49xi32>
    %add3A_78 = arith.addi %add3A_67, %min3A_41 : vector<1000x49xi32>
    %add3A_79 = arith.addi %add3A_67, %min3A_52 : vector<1000x49xi32>
    %swap3A = arith.constant 0 : index
    %swap3A_80 = arith.constant 0 : index
    %swap3A_81 = arith.constant 0 : index
    %swap3A_82 = arith.constant 0 : index
    %swap3A_83 = vector.load %arg3[%swap3A, %swap3A_80, %swap3A_81, %swap3A_82] : memref<2x4x1000x49xi32, #tpu.memory_space<vmem>>, vector<1x1x1000x49xi32>
    %swap3A_84 = vector.shape_cast %swap3A_83 : vector<1x1x1000x49xi32> to vector<1000x49xi32>
    %swap3A_85 = vector.shape_cast %add3A_76 : vector<1000x49xi32> to vector<1x1x1000x49xi32>
    tpu.vector_store %arg3[%swap3A, %swap3A_80, %swap3A_81, %swap3A_82], %swap3A_85 {strides = array<i32>} : memref<2x4x1000x49xi32, #tpu.memory_space<vmem>>, vector<1x1x1000x49xi32>,
    %swap3A_86 = arith.constant 0 : index
    %swap3A_87 = arith.constant 1 : index
    %swap3A_88 = arith.constant 0 : index
    %swap3A_89 = arith.constant 0 : index
    %swap3A_90 = vector.load %arg3[%swap3A_86, %swap3A_87, %swap3A_88, %swap3A_89] : memref<2x4x1000x49xi32, #tpu.memory_space<vmem>>, vector<1x1x1000x49xi32>
    %swap3A_91 = vector.shape_cast %swap3A_90 : vector<1x1x1000x49xi32> to vector<1000x49xi32>
    %swap3A_92 = vector.shape_cast %add3A_77 : vector<1000x49xi32> to vector<1x1x1000x49xi32>
    tpu.vector_store %arg3[%swap3A_86, %swap3A_87, %swap3A_88, %swap3A_89], %swap3A_92 {strides = array<i32>} : memref<2x4x1000x49xi32, #tpu.memory_space<vmem>>, vector<1x1x1000x49xi32>,
    %swap3A_93 = arith.constant 0 : index
    %swap3A_94 = arith.constant 2 : index
    %swap3A_95 = arith.constant 0 : index
    %swap3A_96 = arith.constant 0 : index
    %swap3A_97 = vector.load %arg3[%swap3A_93, %swap3A_94, %swap3A_95, %swap3A_96] : memref<2x4x1000x49xi32, #tpu.memory_space<vmem>>, vector<1x1x1000x49xi32>
    %swap3A_98 = vector.shape_cast %swap3A_97 : vector<1x1x1000x49xi32> to vector<1000x49xi32>
    %swap3A_99 = vector.shape_cast %add3A_78 : vector<1000x49xi32> to vector<1x1x1000x49xi32>
    tpu.vector_store %arg3[%swap3A_93, %swap3A_94, %swap3A_95, %swap3A_96], %swap3A_99 {strides = array<i32>} : memref<2x4x1000x49xi32, #tpu.memory_space<vmem>>, vector<1x1x1000x49xi32>,
    %swap3A_100 = arith.constant 0 : index
    %swap3A_101 = arith.constant 3 : index
    %swap3A_102 = arith.constant 0 : index
    %swap3A_103 = arith.constant 0 : index
    %swap3A_104 = vector.load %arg3[%swap3A_100, %swap3A_101, %swap3A_102, %swap3A_103] : memref<2x4x1000x49xi32, #tpu.memory_space<vmem>>, vector<1x1x1000x49xi32>
    %swap3A_105 = vector.shape_cast %swap3A_104 : vector<1x1x1000x49xi32> to vector<1000x49xi32>
    %swap3A_106 = vector.shape_cast %add3A_79 : vector<1000x49xi32> to vector<1x1x1000x49xi32>
    tpu.vector_store %arg3[%swap3A_100, %swap3A_101, %swap3A_102, %swap3A_103], %swap3A_106 {strides = array<i32>} : memref<2x4x1000x49xi32, #tpu.memory_space<vmem>>, vector<1x1x1000x49xi32>,
    %mul3A_107 = arith.mulf %sub3A_72, %sub3A_75 : vector<1000x49xf32>
    %mul3A_108 = arith.mulf %mul3A_107, %convert_element_type3A_69 : vector<1000x49xf32>
    %swap3A_109 = arith.constant 0 : index
    %swap3A_110 = arith.constant 0 : index
    %swap3A_111 = arith.constant 0 : index
    %swap3A_112 = arith.constant 0 : index
    %swap3A_113 = vector.load %arg4[%swap3A_109, %swap3A_110, %swap3A_111, %swap3A_112] : memref<2x4x1000x49xf32, #tpu.memory_space<vmem>>, vector<1x1x1000x49xf32>
    %swap3A_114 = vector.shape_cast %swap3A_113 : vector<1x1x1000x49xf32> to vector<1000x49xf32>
    %swap3A_115 = vector.shape_cast %mul3A_108 : vector<1000x49xf32> to vector<1x1x1000x49xf32>
    tpu.vector_store %arg4[%swap3A_109, %swap3A_110, %swap3A_111, %swap3A_112], %swap3A_115 {strides = array<i32>} : memref<2x4x1000x49xf32, #tpu.memory_space<vmem>>, vector<1x1x1000x49xf32>,
    %mul3A_116 = arith.mulf %sub3A_31, %sub3A_75 : vector<1000x49xf32>
    %mul3A_117 = arith.mulf %mul3A_116, %convert_element_type3A_69 : vector<1000x49xf32>
    %swap3A_118 = arith.constant 0 : index
    %swap3A_119 = arith.constant 1 : index
    %swap3A_120 = arith.constant 0 : index
    %swap3A_121 = arith.constant 0 : index
    %swap3A_122 = vector.load %arg4[%swap3A_118, %swap3A_119, %swap3A_120, %swap3A_121] : memref<2x4x1000x49xf32, #tpu.memory_space<vmem>>, vector<1x1x1000x49xf32>
    %swap3A_123 = vector.shape_cast %swap3A_122 : vector<1x1x1000x49xf32> to vector<1000x49xf32>
    %swap3A_124 = vector.shape_cast %mul3A_117 : vector<1000x49xf32> to vector<1x1x1000x49xf32>
    tpu.vector_store %arg4[%swap3A_118, %swap3A_119, %swap3A_120, %swap3A_121], %swap3A_124 {strides = array<i32>} : memref<2x4x1000x49xf32, #tpu.memory_space<vmem>>, vector<1x1x1000x49xf32>,
    %mul3A_125 = arith.mulf %sub3A_72, %sub3A_30 : vector<1000x49xf32>
    %mul3A_126 = arith.mulf %mul3A_125, %convert_element_type3A_69 : vector<1000x49xf32>
    %swap3A_127 = arith.constant 0 : index
    %swap3A_128 = arith.constant 2 : index
    %swap3A_129 = arith.constant 0 : index
    %swap3A_130 = arith.constant 0 : index
    %swap3A_131 = vector.load %arg4[%swap3A_127, %swap3A_128, %swap3A_129, %swap3A_130] : memref<2x4x1000x49xf32, #tpu.memory_space<vmem>>, vector<1x1x1000x49xf32>
    %swap3A_132 = vector.shape_cast %swap3A_131 : vector<1x1x1000x49xf32> to vector<1000x49xf32>
    %swap3A_133 = vector.shape_cast %mul3A_126 : vector<1000x49xf32> to vector<1x1x1000x49xf32>
    tpu.vector_store %arg4[%swap3A_127, %swap3A_128, %swap3A_129, %swap3A_130], %swap3A_133 {strides = array<i32>} : memref<2x4x1000x49xf32, #tpu.memory_space<vmem>>, vector<1x1x1000x49xf32>,
    %mul3A_134 = arith.mulf %sub3A_31, %sub3A_30 : vector<1000x49xf32>
    %mul3A_135 = arith.mulf %mul3A_134, %convert_element_type3A_69 : vector<1000x49xf32>
    %swap3A_136 = arith.constant 0 : index
    %swap3A_137 = arith.constant 3 : index
    %swap3A_138 = arith.constant 0 : index
    %swap3A_139 = arith.constant 0 : index
    %swap3A_140 = vector.load %arg4[%swap3A_136, %swap3A_137, %swap3A_138, %swap3A_139] : memref<2x4x1000x49xf32, #tpu.memory_space<vmem>>, vector<1x1x1000x49xf32>
    %swap3A_141 = vector.shape_cast %swap3A_140 : vector<1x1x1000x49xf32> to vector<1000x49xf32>
    %swap3A_142 = vector.shape_cast %mul3A_135 : vector<1000x49xf32> to vector<1x1x1000x49xf32>
    tpu.vector_store %arg4[%swap3A_136, %swap3A_137, %swap3A_138, %swap3A_139], %swap3A_142 {strides = array<i32>} : memref<2x4x1000x49xf32, #tpu.memory_space<vmem>>, vector<1x1x1000x49xf32>,
    %get3A_143 = arith.constant 1 : index
    %get3A_144 = arith.constant 0 : index
    %get3A_145 = arith.constant 0 : index
    %get3A_146 = vector.load %arg0[%get3A_143, %get3A_144, %get3A_145] : memref<2x1000x49xf32, #tpu.memory_space<vmem>>, vector<1x1000x49xf32>
    %get3A_147 = vector.shape_cast %get3A_146 : vector<1x1000x49xf32> to vector<1000x49xf32>
    %get3A_148 = arith.constant 1 : index
    %get3A_149 = arith.constant 0 : index
    %get3A_150 = arith.constant 0 : index
    %get3A_151 = vector.load %arg1[%get3A_148, %get3A_149, %get3A_150] : memref<2x1000x49xf32, #tpu.memory_space<vmem>>, vector<1x1000x49xf32>
    %get3A_152 = vector.shape_cast %get3A_151 : vector<1x1000x49xf32> to vector<1000x49xf32>
    %get3A_153 = arith.constant 1 : index
    %get3A_154 = arith.constant 0 : index
    %get3A_155 = arith.constant 0 : index
    %get3A_156 = vector.load %arg2[%get3A_153, %get3A_154, %get3A_155] : memref<2x1000x1xi32, #tpu.memory_space<vmem>>, vector<1x1000x1xi32>
    %get3A_157 = vector.shape_cast %get3A_156 : vector<1x1000x1xi32> to vector<1000x1xi32>
    %ge3A_158 = arith.constant 0.000000e+00 : f32
    %ge3A_159 = vector.broadcast %ge3A_158 : f32 to vector<1000x49xf32>
    %ge3A_160 = arith.cmpf oge, %get3A_147, %ge3A_159 : vector<1000x49xf32>
    %sub3A_161 = arith.constant 1.280000e+02 : f32
    %sub3A_162 = arith.constant 1.000000e+00 : f32
    %sub3A_163 = arith.subf %sub3A_161, %sub3A_162 : f32
    %le3A_164 = vector.broadcast %sub3A_163 : f32 to vector<1000x49xf32>
    %le3A_165 = arith.cmpf ole, %get3A_147, %le3A_164 : vector<1000x49xf32>
    %and3A_166 = arith.andi %ge3A_160, %le3A_165 : vector<1000x49xi1>
    %ge3A_167 = arith.constant 0.000000e+00 : f32
    %ge3A_168 = vector.broadcast %ge3A_167 : f32 to vector<1000x49xf32>
    %ge3A_169 = arith.cmpf oge, %get3A_152, %ge3A_168 : vector<1000x49xf32>
    %and3A_170 = arith.andi %and3A_166, %ge3A_169 : vector<1000x49xi1>
    %sub3A_171 = arith.constant 1.280000e+02 : f32
    %sub3A_172 = arith.constant 1.000000e+00 : f32
    %sub3A_173 = arith.subf %sub3A_171, %sub3A_172 : f32
    %le3A_174 = vector.broadcast %sub3A_173 : f32 to vector<1000x49xf32>
    %le3A_175 = arith.cmpf ole, %get3A_152, %le3A_174 : vector<1000x49xf32>
    %and3A_176 = arith.andi %and3A_170, %le3A_175 : vector<1000x49xi1>
    %floor3A_177 = math.floor %get3A_147 : vector<1000x49xf32>
    %floor3A_178 = math.floor %get3A_152 : vector<1000x49xf32>
    %sub3A_179 = arith.subf %get3A_147, %floor3A_177 : vector<1000x49xf32>
    %sub3A_180 = arith.subf %get3A_152, %floor3A_178 : vector<1000x49xf32>
    %convert_element_type3A_181 = arith.fptosi %floor3A_177 : vector<1000x49xf32> to vector<1000x49xi32>
    %jit3A_182 = arith.constant 0 : i32
    %jit3A_183 = arith.constant 127 : i32
    %max3A_184 = vector.broadcast %jit3A_182 : i32 to vector<1000x49xi32>
    %max3A_185 = arith.maxsi %max3A_184, %convert_element_type3A_181 : vector<1000x49xi32>
    %min3A_186 = vector.broadcast %jit3A_183 : i32 to vector<1000x49xi32>
    %min3A_187 = arith.minsi %min3A_186, %max3A_185 : vector<1000x49xi32>
    %convert_element_type3A_188 = arith.fptosi %floor3A_178 : vector<1000x49xf32> to vector<1000x49xi32>
    %jit3A_189 = arith.constant 0 : i32
    %jit3A_190 = arith.constant 127 : i32
    %max3A_191 = vector.broadcast %jit3A_189 : i32 to vector<1000x49xi32>
    %max3A_192 = arith.maxsi %max3A_191, %convert_element_type3A_188 : vector<1000x49xi32>
    %min3A_193 = vector.broadcast %jit3A_190 : i32 to vector<1000x49xi32>
    %min3A_194 = arith.minsi %min3A_193, %max3A_192 : vector<1000x49xi32>
    %add3A_195 = arith.constant 1 : i32
    %add3A_196 = vector.broadcast %add3A_195 : i32 to vector<1000x49xi32>
    %add3A_197 = arith.addi %min3A_187, %add3A_196 : vector<1000x49xi32>
    %min3A_198 = arith.constant 127 : i32
    %min3A_199 = vector.broadcast %min3A_198 : i32 to vector<1000x49xi32>
    %min3A_200 = arith.minsi %add3A_197, %min3A_199 : vector<1000x49xi32>
    %add3A_201 = arith.constant 1 : i32
    %add3A_202 = vector.broadcast %add3A_201 : i32 to vector<1000x49xi32>
    %add3A_203 = arith.addi %min3A_194, %add3A_202 : vector<1000x49xi32>
    %min3A_204 = arith.constant 127 : i32
    %min3A_205 = vector.broadcast %min3A_204 : i32 to vector<1000x49xi32>
    %min3A_206 = arith.minsi %add3A_203, %min3A_205 : vector<1000x49xi32>
    %mul3A_207 = arith.constant 16384 : i32
    %mul3A_208 = vector.broadcast %mul3A_207 : i32 to vector<1000x1xi32>
    %mul3A_209 = arith.muli %get3A_157, %mul3A_208 : vector<1000x1xi32>
    %add3A_210 = arith.constant 65536 : i32
    %add3A_211 = vector.broadcast %add3A_210 : i32 to vector<1000x1xi32>
    %add3A_212 = arith.addi %mul3A_209, %add3A_211 : vector<1000x1xi32>
    %mul3A_213 = arith.constant 128 : i32
    %mul3A_214 = vector.broadcast %mul3A_213 : i32 to vector<1000x49xi32>
    %mul3A_215 = arith.muli %min3A_187, %mul3A_214 : vector<1000x49xi32>
    %add3A_216 = vector.broadcast %add3A_212 : vector<1000x1xi32> to vector<1000x49xi32>
    %add3A_217 = arith.addi %add3A_216, %mul3A_215 : vector<1000x49xi32>
    %mul3A_218 = arith.constant 128 : i32
    %mul3A_219 = vector.broadcast %mul3A_218 : i32 to vector<1000x49xi32>
    %mul3A_220 = arith.muli %min3A_200, %mul3A_219 : vector<1000x49xi32>
    %add3A_221 = vector.broadcast %add3A_212 : vector<1000x1xi32> to vector<1000x49xi32>
    %add3A_222 = arith.addi %add3A_221, %mul3A_220 : vector<1000x49xi32>
    %convert_element_type3A_223 = arith.extui %and3A_176 : vector<1000x49xi1> to vector<1000x49xi32>
    %convert_element_type3A_224 = arith.sitofp %convert_element_type3A_223 : vector<1000x49xi32> to vector<1000x49xf32>
    %sub3A_225 = arith.constant 1.000000e+00 : f32
    %sub3A_226 = vector.broadcast %sub3A_225 : f32 to vector<1000x49xf32>
    %sub3A_227 = arith.subf %sub3A_226, %sub3A_180 : vector<1000x49xf32>
    %sub3A_228 = arith.constant 1.000000e+00 : f32
    %sub3A_229 = vector.broadcast %sub3A_228 : f32 to vector<1000x49xf32>
    %sub3A_230 = arith.subf %sub3A_229, %sub3A_179 : vector<1000x49xf32>
    %add3A_231 = arith.addi %add3A_217, %min3A_194 : vector<1000x49xi32>
    %add3A_232 = arith.addi %add3A_217, %min3A_206 : vector<1000x49xi32>
    %add3A_233 = arith.addi %add3A_222, %min3A_194 : vector<1000x49xi32>
    %add3A_234 = arith.addi %add3A_222, %min3A_206 : vector<1000x49xi32>
    %swap3A_235 = arith.constant 1 : index
    %swap3A_236 = arith.constant 0 : index
    %swap3A_237 = arith.constant 0 : index
    %swap3A_238 = arith.constant 0 : index
    %swap3A_239 = vector.load %arg3[%swap3A_235, %swap3A_236, %swap3A_237, %swap3A_238] : memref<2x4x1000x49xi32, #tpu.memory_space<vmem>>, vector<1x1x1000x49xi32>
    %swap3A_240 = vector.shape_cast %swap3A_239 : vector<1x1x1000x49xi32> to vector<1000x49xi32>
    %swap3A_241 = vector.shape_cast %add3A_231 : vector<1000x49xi32> to vector<1x1x1000x49xi32>
    tpu.vector_store %arg3[%swap3A_235, %swap3A_236, %swap3A_237, %swap3A_238], %swap3A_241 {strides = array<i32>} : memref<2x4x1000x49xi32, #tpu.memory_space<vmem>>, vector<1x1x1000x49xi32>,
    %swap3A_242 = arith.constant 1 : index
    %swap3A_243 = arith.constant 1 : index
    %swap3A_244 = arith.constant 0 : index
    %swap3A_245 = arith.constant 0 : index
    %swap3A_246 = vector.load %arg3[%swap3A_242, %swap3A_243, %swap3A_244, %swap3A_245] : memref<2x4x1000x49xi32, #tpu.memory_space<vmem>>, vector<1x1x1000x49xi32>
    %swap3A_247 = vector.shape_cast %swap3A_246 : vector<1x1x1000x49xi32> to vector<1000x49xi32>
    %swap3A_248 = vector.shape_cast %add3A_232 : vector<1000x49xi32> to vector<1x1x1000x49xi32>
    tpu.vector_store %arg3[%swap3A_242, %swap3A_243, %swap3A_244, %swap3A_245], %swap3A_248 {strides = array<i32>} : memref<2x4x1000x49xi32, #tpu.memory_space<vmem>>, vector<1x1x1000x49xi32>,
    %swap3A_249 = arith.constant 1 : index
    %swap3A_250 = arith.constant 2 : index
    %swap3A_251 = arith.constant 0 : index
    %swap3A_252 = arith.constant 0 : index
    %swap3A_253 = vector.load %arg3[%swap3A_249, %swap3A_250, %swap3A_251, %swap3A_252] : memref<2x4x1000x49xi32, #tpu.memory_space<vmem>>, vector<1x1x1000x49xi32>
    %swap3A_254 = vector.shape_cast %swap3A_253 : vector<1x1x1000x49xi32> to vector<1000x49xi32>
    %swap3A_255 = vector.shape_cast %add3A_233 : vector<1000x49xi32> to vector<1x1x1000x49xi32>
    tpu.vector_store %arg3[%swap3A_249, %swap3A_250, %swap3A_251, %swap3A_252], %swap3A_255 {strides = array<i32>} : memref<2x4x1000x49xi32, #tpu.memory_space<vmem>>, vector<1x1x1000x49xi32>,
    %swap3A_256 = arith.constant 1 : index
    %swap3A_257 = arith.constant 3 : index
    %swap3A_258 = arith.constant 0 : index
    %swap3A_259 = arith.constant 0 : index
    %swap3A_260 = vector.load %arg3[%swap3A_256, %swap3A_257, %swap3A_258, %swap3A_259] : memref<2x4x1000x49xi32, #tpu.memory_space<vmem>>, vector<1x1x1000x49xi32>
    %swap3A_261 = vector.shape_cast %swap3A_260 : vector<1x1x1000x49xi32> to vector<1000x49xi32>
    %swap3A_262 = vector.shape_cast %add3A_234 : vector<1000x49xi32> to vector<1x1x1000x49xi32>
    tpu.vector_store %arg3[%swap3A_256, %swap3A_257, %swap3A_258, %swap3A_259], %swap3A_262 {strides = array<i32>} : memref<2x4x1000x49xi32, #tpu.memory_space<vmem>>, vector<1x1x1000x49xi32>,
    %mul3A_263 = arith.mulf %sub3A_227, %sub3A_230 : vector<1000x49xf32>
    %mul3A_264 = arith.mulf %mul3A_263, %convert_element_type3A_224 : vector<1000x49xf32>
    %swap3A_265 = arith.constant 1 : index
    %swap3A_266 = arith.constant 0 : index
    %swap3A_267 = arith.constant 0 : index
    %swap3A_268 = arith.constant 0 : index
    %swap3A_269 = vector.load %arg4[%swap3A_265, %swap3A_266, %swap3A_267, %swap3A_268] : memref<2x4x1000x49xf32, #tpu.memory_space<vmem>>, vector<1x1x1000x49xf32>
    %swap3A_270 = vector.shape_cast %swap3A_269 : vector<1x1x1000x49xf32> to vector<1000x49xf32>
    %swap3A_271 = vector.shape_cast %mul3A_264 : vector<1000x49xf32> to vector<1x1x1000x49xf32>
    tpu.vector_store %arg4[%swap3A_265, %swap3A_266, %swap3A_267, %swap3A_268], %swap3A_271 {strides = array<i32>} : memref<2x4x1000x49xf32, #tpu.memory_space<vmem>>, vector<1x1x1000x49xf32>,
    %mul3A_272 = arith.mulf %sub3A_180, %sub3A_230 : vector<1000x49xf32>
    %mul3A_273 = arith.mulf %mul3A_272, %convert_element_type3A_224 : vector<1000x49xf32>
    %swap3A_274 = arith.constant 1 : index
    %swap3A_275 = arith.constant 1 : index
    %swap3A_276 = arith.constant 0 : index
    %swap3A_277 = arith.constant 0 : index
    %swap3A_278 = vector.load %arg4[%swap3A_274, %swap3A_275, %swap3A_276, %swap3A_277] : memref<2x4x1000x49xf32, #tpu.memory_space<vmem>>, vector<1x1x1000x49xf32>
    %swap3A_279 = vector.shape_cast %swap3A_278 : vector<1x1x1000x49xf32> to vector<1000x49xf32>
    %swap3A_280 = vector.shape_cast %mul3A_273 : vector<1000x49xf32> to vector<1x1x1000x49xf32>
    tpu.vector_store %arg4[%swap3A_274, %swap3A_275, %swap3A_276, %swap3A_277], %swap3A_280 {strides = array<i32>} : memref<2x4x1000x49xf32, #tpu.memory_space<vmem>>, vector<1x1x1000x49xf32>,
    %mul3A_281 = arith.mulf %sub3A_227, %sub3A_179 : vector<1000x49xf32>
    %mul3A_282 = arith.mulf %mul3A_281, %convert_element_type3A_224 : vector<1000x49xf32>
    %swap3A_283 = arith.constant 1 : index
    %swap3A_284 = arith.constant 2 : index
    %swap3A_285 = arith.constant 0 : index
    %swap3A_286 = arith.constant 0 : index
    %swap3A_287 = vector.load %arg4[%swap3A_283, %swap3A_284, %swap3A_285, %swap3A_286] : memref<2x4x1000x49xf32, #tpu.memory_space<vmem>>, vector<1x1x1000x49xf32>
    %swap3A_288 = vector.shape_cast %swap3A_287 : vector<1x1x1000x49xf32> to vector<1000x49xf32>
    %swap3A_289 = vector.shape_cast %mul3A_282 : vector<1000x49xf32> to vector<1x1x1000x49xf32>
    tpu.vector_store %arg4[%swap3A_283, %swap3A_284, %swap3A_285, %swap3A_286], %swap3A_289 {strides = array<i32>} : memref<2x4x1000x49xf32, #tpu.memory_space<vmem>>, vector<1x1x1000x49xf32>,
    %mul3A_290 = arith.mulf %sub3A_180, %sub3A_179 : vector<1000x49xf32>
    %mul3A_291 = arith.mulf %mul3A_290, %convert_element_type3A_224 : vector<1000x49xf32>
    %swap3A_292 = arith.constant 1 : index
    %swap3A_293 = arith.constant 3 : index
    %swap3A_294 = arith.constant 0 : index
    %swap3A_295 = arith.constant 0 : index
    %swap3A_296 = vector.load %arg4[%swap3A_292, %swap3A_293, %swap3A_294, %swap3A_295] : memref<2x4x1000x49xf32, #tpu.memory_space<vmem>>, vector<1x1x1000x49xf32>
    %swap3A_297 = vector.shape_cast %swap3A_296 : vector<1x1x1000x49xf32> to vector<1000x49xf32>
    %swap3A_298 = vector.shape_cast %mul3A_291 : vector<1000x49xf32> to vector<1x1x1000x49xf32>
    tpu.vector_store %arg4[%swap3A_292, %swap3A_293, %swap3A_294, %swap3A_295], %swap3A_298 {strides = array<i32>} : memref<2x4x1000x49xf32, #tpu.memory_space<vmem>>, vector<1x1x1000x49xf32>,
    return
  }
}

module attributes {stable_mosaic.version = 14 : i64} {
  func.func @_repack_body(%arg0: i32, %arg1: i32, %arg2: memref<1960x256xf32, #tpu.memory_space<vmem>>, %arg3: memref<1x40x7x7x256xf32, #tpu.memory_space<vmem>>) attributes {dimension_semantics = [#tpu.dimension_semantics<arbitrary>, #tpu.dimension_semantics<arbitrary>], iteration_bounds = array<i64: 2, 25>, scalar_prefetch = 0 : i64, scratch_operands = 0 : i64, tpu.core_type = #tpu.core_type<tc>, window_params = [{transform_indices = @transform_0, window_bounds = array<i64: 1960, 256>}, {transform_indices = @transform_1, window_bounds = array<i64: 1, 40, 7, 7, 256>}]} {
    %get3A = arith.constant 0 : index
    %get3A_0 = arith.constant 0 : index
    %get3A_1 = vector.load %arg2[%get3A, %get3A_0] : memref<1960x256xf32, #tpu.memory_space<vmem>>, vector<1960x256xf32>
    %reshape3A = vector.shape_cast %get3A_1 : vector<1960x256xf32> to vector<1x40x7x7x256xf32>
    %swap3A = arith.constant 0 : index
    %swap3A_2 = arith.constant 0 : index
    %swap3A_3 = arith.constant 0 : index
    %swap3A_4 = arith.constant 0 : index
    %swap3A_5 = arith.constant 0 : index
    %swap3A_6 = vector.load %arg3[%swap3A, %swap3A_2, %swap3A_3, %swap3A_4, %swap3A_5] : memref<1x40x7x7x256xf32, #tpu.memory_space<vmem>>, vector<1x40x7x7x256xf32>
    tpu.vector_store %arg3[%swap3A, %swap3A_2, %swap3A_3, %swap3A_4, %swap3A_5], %reshape3A {strides = array<i32>} : memref<1x40x7x7x256xf32, #tpu.memory_space<vmem>>, vector<1x40x7x7x256xf32>,
    return
  }
  func.func @transform_0(%arg0: i32, %arg1: i32) -> (i32, i32) {
    %mul3A = arith.constant 25 : i32
    %mul3A_0 = arith.muli %arg0, %mul3A : i32
    %add3A = arith.addi %mul3A_0, %arg1 : i32
    %c0_i32 = arith.constant 0 : i32
    %c0_i32_1 = arith.constant 0 : i32
    return %add3A, %c0_i32 : i32, i32
  }
  func.func @transform_1(%arg0: i32, %arg1: i32) -> (i32, i32, i32, i32, i32) {
    %c0_i32 = arith.constant 0 : i32
    %c0_i32_0 = arith.constant 0 : i32
    %c0_i32_1 = arith.constant 0 : i32
    %c0_i32_2 = arith.constant 0 : i32
    return %arg0, %arg1, %c0_i32, %c0_i32_0, %c0_i32_1 : i32, i32, i32, i32, i32
  }
}

</mosaic_0001>

<sc_bundles>
// kernel: kernel.5.cloned.1.call-start
scs
__scs_entry_jumppad:
0x0: {  	(pc) =	sbr.rel $0x88, $3  }
0x1: {  	(tag) =	ssettag $0x0;
	lr =	simm.s32 $0x1  }
0x2: {  	[smem:$0x3F9F] =	sst lr;
	_ =	strace $0xD0000000  }
0x3: {  	_ = 	snop  }
0x4: {  	_ = 	snop  }
0x5: {  	_ = 	snop  }
0x6: {  	_ = 	snop  }
0x7: {  	_ = 	snop  }
__scs_overlays_trampoline_lowered:
0x8: {  	[smem:$0x3FAE] =	sst s0  }
0x9: {  	[smem:$0x3FAF] =	sst s1  }
0xa: {  	[smem:$0x3FB0] =	sst s2  }
0xb: {  	[smem:$0x3FB1] =	sst s3  }
0xc: {  	[smem:$0x3FB2] =	sst s4  }
0xd: {  	[smem:$0x3FB3] =	sst s5  }
0xe: {  	[smem:$0x3FB4] =	sst s6  }
0xf: {  	[smem:$0x3FB5] =	sst s7  }
0x10: {  	[smem:$0x3FB6] =	sst s8  }
0x11: {  	[smem:$0x3FB7] =	sst s9;
	s0 =	simm.s32 @!p0 $0x0  }
0x12: {  	s1 =	sld [smem:$0x3F9D];
	s0 =	simm.s32 @p0 $0x1  }
0x13: {  	[smem:$0x3FB8] =	sst s0;
	s0 =	simm.s32 @!p1 $0x0  }
0x14: {  	s2 =	sld [smem:$0x3F9C];
	s0 =	simm.s32 @p1 $0x1  }
0x15: {  	[smem:$0x3FB9] =	sst s0;
	s0 =	simm.s32 @!p2 $0x0  }
0x16: {  	s3 =	sld [smem:$0x3FDB];
	s0 =	simm.s32 @p2 $0x1  }
0x17: {  	s4 =	simm.s32 $0x1BF5;
	[smem:$0x3FBB] =	sst s0  }
0x18: {  	s0 =	sld [smem:$0x3F9E];
	_ =	swait.ge [sflag:s4], $0x0  }
0x19: {  	s7 =	sld [smem:$0x3F9F]  }
0x1a: {  	s8 =	sadd.s32 $0xFFFFE003, lr  }
0x1b: {  	s9 =	sadd.s32 $0xFFFFFEF7, lr;
	s5 =	simm.s32 $0xFFFFFFFF;
	p2 =	slt.u32 s8, $0xFFFFF086  }
0x1c: {  	p1 =	slt.u32 s9, $0xF7A;
	s5 =	simm.s32 @!p2 $0x0  }
0x1d: {  	s5 =	simm.s32 @p1 $0x1;
	p0 =	seq.s32 s7, s2  }
0x1e: {  	s7 =	smul.u32 @!p0 $0xF7A, s2;
	p2 =	seq.s32 @!p0 s5, $0x0  }
0x1f: {  	s9 =	smul.u32 $0xF7A, s1;
	s8 =	simm.s32 @!p0 $0x1BF5;
	p2 =	por !p2, p0  }
0x20: {  	[sflag:s8] =	ssyncset.s32 @!p0 $0xFFFFF086;
	s6 =	sadd.s32 @!p0 s3, s7;
	s7 =	simm.s32 @!p0 $0x108  }
0x21: {  	s3 =	sadd.s32 s3, s9;
	s6 =	sadd.s32 @!p0 $0x88, s6;
	s7 =	simm.s32 @p2 $0x1082  }
0x22: {  	[simem:s7], [sflag:s8] =	dma.local @!p0 [hbm:s6], $0xF7A  }
0x23: {  	s9 =	sor.u32 $0xD0000000, s2;
	s6 =	simm.s32 $0x108;
	_ =	swait.ge @!p0 [sflag:s8], $0x0  }
0x24: {  	s3 =	sadd.s32 $0x88, s3;
	s6 =	simm.s32 @!p1 $0x1082;
	[sflag:s4] =	ssyncset.s32 $0xFFFFF086  }
0x25: {  	[simem:s6], [sflag:s4] =	dma.local [hbm:s3], $0xF7A  }
0x26: {  	[smem:$0x3F9F] =	sst s1;
	(tag) =	ssettag s2;
	_ =	strace s9  }
0x27: {  	s1 =	sld [smem:$0x3FAF]  }
0x28: {  	s2 =	sld [smem:$0x3FB0]  }
0x29: {  	s4 =	sld [smem:$0x3FB2]  }
0x2a: {  	p0 =	seq.s32 s5, $0x0;
	s5 =	sld [smem:$0x3FB3]  }
0x2b: {  	s6 =	sld [smem:$0x3FB4]  }
0x2c: {  	s7 =	sld [smem:$0x3FB5]  }
0x2d: {  	s3 =	simm.s32 $0x108;
	s8 =	sld [smem:$0x3FB6]  }
0x2e: {  	s3 =	simm.s32 @!p0 $0x1082;
	s9 =	sld [smem:$0x3FB7]  }
0x2f: {  	lr =	sadd.s32 s0, s3;
	s0 =	sld [smem:$0x3FAE]  }
0x30: {  	s3 =	sld [smem:$0x3FB1]  }
0x31: {  	[smem:$0x3FBA] =	sst s10  }
0x32: {  	s10 =	sld [smem:$0x3FB8];
	_ =	sdelay $0x3  }
0x33: {  	p0 =	seq.s32 s10, $0x1;
	s10 =	sld [smem:$0x3FBA];
	_ =	sdelay $0x3  }
0x34: {  	[smem:$0x3FBA] =	sst s10  }
0x35: {  	s10 =	sld [smem:$0x3FB9];
	_ =	sdelay $0x3  }
0x36: {  	p1 =	seq.s32 s10, $0x1;
	s10 =	sld [smem:$0x3FBA];
	_ =	sdelay $0x3  }
0x37: {  	[smem:$0x3FBA] =	sst s10  }
0x38: {  	s10 =	sld [smem:$0x3FBB]  }
0x39: {  	_ = 	snop;
	(pc) =	sbr.ind lr, $3  }
0x3a: {  	_ = 	snop  }
0x3b: {  	_ = 	snop  }
0x3c: {  	p2 =	seq.s32 s10, $0x1;
	s10 =	sld [smem:$0x3FBA]  }
0x3d: {  	_ =	shalt  }
0x3e: {  	_ =	shalt  }
0x3f: {  	_ =	shalt  }
0x40: {  	_ =	shalt  }
0x41: {  	_ =	shalt  }
0x42: {  	_ =	shalt  }
0x43: {  	_ =	shalt  }
0x44: {  	_ =	shalt  }
0x45: {  	_ =	shalt  }
0x46: {  	_ =	shalt  }
0x47: {  	_ =	shalt  }
0x48: {  	_ =	shalt  }
0x49: {  	_ =	shalt  }
0x4a: {  	_ =	shalt  }
0x4b: {  	_ =	shalt  }
0x4c: {  	_ =	shalt  }
0x4d: {  	_ =	shalt  }
0x4e: {  	_ =	shalt  }
0x4f: {  	_ =	shalt  }
0x50: {  	_ =	shalt  }
0x51: {  	_ =	shalt  }
0x52: {  	_ =	shalt  }
0x53: {  	_ =	shalt  }
0x54: {  	_ =	shalt  }
0x55: {  	_ =	shalt  }
0x56: {  	_ =	shalt  }
0x57: {  	_ =	shalt  }
0x58: {  	_ =	shalt  }
0x59: {  	_ =	shalt  }
0x5a: {  	_ =	shalt  }
0x5b: {  	_ =	shalt  }
0x5c: {  	_ =	shalt  }
0x5d: {  	_ =	shalt  }
0x5e: {  	_ =	shalt  }
0x5f: {  	_ =	shalt  }
0x60: {  	_ =	shalt  }
0x61: {  	_ =	shalt  }
0x62: {  	_ =	shalt  }
0x63: {  	_ =	shalt  }
0x64: {  	_ =	shalt  }
0x65: {  	_ =	shalt  }
0x66: {  	_ =	shalt  }
0x67: {  	_ =	shalt  }
0x68: {  	_ =	shalt  }
0x69: {  	_ =	shalt  }
0x6a: {  	_ =	shalt  }
0x6b: {  	_ =	shalt  }
0x6c: {  	_ =	shalt  }
0x6d: {  	_ =	shalt  }
0x6e: {  	_ =	shalt  }
0x6f: {  	_ =	shalt  }
0x70: {  	_ =	shalt  }
0x71: {  	_ =	shalt  }
0x72: {  	_ =	shalt  }
0x73: {  	_ =	shalt  }
0x74: {  	_ =	shalt  }
0x75: {  	_ =	shalt  }
0x76: {  	_ =	shalt  }
0x77: {  	_ =	shalt  }
0x78: {  	_ =	shalt  }
0x79: {  	_ =	shalt  }
0x7a: {  	_ =	shalt  }
0x7b: {  	_ =	shalt  }
0x7c: {  	_ =	shalt  }
0x7d: {  	_ =	shalt  }
0x7e: {  	_ =	shalt  }
0x7f: {  	_ =	shalt  }
0x80: {  	_ =	shalt  }
0x81: {  	_ =	shalt  }
0x82: {  	_ =	shalt  }
0x83: {  	_ =	shalt  }
0x84: {  	_ =	shalt  }
0x85: {  	_ =	shalt  }
0x86: {  	_ =	shalt  }
0x87: {  	_ =	shalt  }
.Lfunc_end0:
.L_simem_size_0:
called_computation_lowered:
.L_overlay_start_0:
0x88: {  	s2 =	sld [smem:$0x3FD9]  }
0x89: {  	s3 =	sld [smem:$0x3FFE];
	_ =	sdelay $0x1  }
0x8a: {  	s1 =	srdreg.scid  }
0x8b: {  	s0 =	sand.u32 $0x1, s1  }
0x8c: {  	s17 =	sshll.u32 s0, $0xA;
	s2 =	sadd.s32 s3, s2  }
0x8d: {  	s2 =	sadd.s32 s2, s17  }
0x8e: {  	[smem:$0x3FC6] =	sst s2  }
0x8f: {  	_ = 	snop  }
0x90: {  	s2 =	sld [smem:$0x3FC9]  }
0x91: {  	s18 =	sld [smem:$0x3FD0];
	(tm) =	ssettm $0x1  }
0x92: {  	s4 =	sld [smem:$0x3FFB];
	_ =	sdelay $0x3  }
0x93: {  	_ =	strace s4  }
0x94: {  	s4 =	sld [smem:$0x3FFC];
	_ =	sdelay $0x3  }
0x95: {  	_ =	strace s4  }
0x96: {  	s4 =	sld [smem:$0x3FFD];
	_ =	sdelay $0x3  }
0x97: {  	_ =	strace s4  }
0x98: {  	_ =	strace $0x8FFFFFFF  }
0x99: {  	s19 =	sld [smem:$0x3FDB];
	_ =	sdelay $0x1  }
0x9a: {  	s5 =	simm.s32 $_scs_section_size  }
0x9b: {  	s6 =	simm.s32 $_size__tile_overlayer_lowered;
	s7 =	simm.s32 $_tile_overlayer_lowered  }
0x9c: {  	s22 =	simm.s32 $0x1BFF;
	s21 =	sshll.u32 s7, $0x1;
	s4 =	sadd.s32 s5, s19  }
0x9d: {  	s8 =	simm.s32 $0x0;
	s20 =	sshll.u32 s6, $0x1;
	s6 =	sadd.s32 s21, s4  }
0x9e: {  	[timem:s8], [sflag:s22] =	dma.local [hbm:s6], s20  }
0x9f: {  	_ =	swait.ge [sflag:s22], s20  }
0xa0: {  	s5 =	ssub.s32 $0x0, s20;
	[sflag:s22] =	ssyncset.done $0x0  }
0xa1: {  	[sflag:s22] =	ssyncadd.s32 s5;
	_ =	sdelay $0x1  }
0xa2: {  	s23 =	simm.s32 $0x1B8B  }
0xa3: {  	_ =	swait.ge [sflag:s23], $0x1  }
0xa4: {  	[sflag:s23] =	ssyncset.done $0x0  }
0xa5: {  	s25 =	simm.s32 $0x1B8E;
	s24 =	sld [smem:$0x3FFE];
	[sflag:s23] =	ssyncadd.s32 $0xFFFFFFFF  }
0xa6: {  	s26 =	simm.s32 $execute0_lowered;
	[smem:$0x3FD2] =	sst s25  }
0xa7: {  	s6 =	sshll.u32 s26, $0x1;
	_ =	strace $0x80000046;
	[dreg:$0x1] =	wrdreg $0xFFFFFFFF  }
0xa8: {  	s28 =	simm.s32 $_size_execute0_lowered;
	s4 =	sadd.s32 s4, s6;
	[dreg:$0x0] =	wrdreg $0x0  }
0xa9: {  	s6 =	sshll.u32 s28, $0x1;
	[dreg:$0x2] =	wrdreg s4  }
0xaa: {  	[dreg:$0x3] =	wrdreg s6  }
0xab: {  	[dreg:$0x4] =	wrdreg $0xC0  }
0xac: {  	_ =	task [dreg:s8], $0x5FFFF  }
0xad: {  	[dreg:$0x1] =	wrdreg $0xFFFFFFFF  }
0xae: {  	[dreg:$0x0] =	wrdreg $0x60  }
0xaf: {  	[dreg:$0x2] =	wrdreg s2  }
0xb0: {  	[dreg:$0x3] =	wrdreg s24  }
0xb1: {  	[dreg:$0x4] =	wrdreg s18  }
0xb2: {  	[dreg:$0x5] =	wrdreg $0x9  }
0xb3: {  	_ =	task.clear_ibuf [dreg:s8], $0x6FFFF;
	_ =	strace $0x90000046  }
0xb4: {  	s29 =	simm.s32 $0x9;
	_ =	strace $0x80000048  }
0xb5: {  	_ =	swait.ge [sflag:s29], $0x1  }
0xb6: {  	[sflag:s29] =	ssyncadd.s32 $0xFFFFFFFF  }
0xb7: {  	_ =	strace $0x90000048  }
0xb8: {  	_ =	sfence  }
0xb9: {  	s30 =	sld [smem:$0x0];
	_ =	sdelay $0x2  }
0xba: {  	s31 =	sshll.u32 s1, $0xD;
	s1 =	sshrl.u32 s1, $0x2  }
0xbb: {  	s3 =	sand.u32 $0x4000, s31;
	s1 =	sadd.s32 s1, s30  }
0xbc: {  	s0 =	sor.u32 s3, s0;
	s1 =	sshll.u32 s1, $0x11  }
0xbd: {  	s0 =	sor.u32 s1, s0  }
0xbe: {  	s0 =	sadd.s32 $0x8F2B, s0  }
0xbf: {  	[sflag:s0] =	ssyncadd.remote.s32 $0x1  }
0xc0: {  	_ =	sfence.sel $0xFFFF  }
0xc1: {  	[dreg:$0x0] =	wrdreg $0xFFFFFFFF;
	(pc) =	sbr.abs _section_cstart, $3  }
0xc2: {  	[dreg:$0x1] =	wrdreg $0xFFFFFFFF  }
0xc3: {  	_ =	task.clear_ibuf [dreg:s8], $0x2FFFF;
	_ =	strace $0x9FFFFFFF  }
0xc4: {  	(tm) =	ssettm $0x7FFFFFFF  }
0xc5: {  	_ =	shalt  }
tec
execute0_lowered:
.L_overlay_start_1:
0x0: {  	(tag) =	ssettag $0x1  }
0x1: {  	s1 =	rddreg [dreg:$0x0]  }
0x2: {  	s2 =	srdreg.scid;
	s4 =	stileid.u32  }
0x3: {  	s0 =	rddreg [dreg:$0x1];
	s2 =	sand.u32 $0x1, s2;
	s5 =	sshll.u32 s4, $0x1  }
0x4: {  	s3 =	rddreg [dreg:$0x2];
	s16 =	simm.s32 $0x5;
	s5 =	sor.u32 s2, s5  }
0x5: {  	s15 =	simm.s32 $0x0;
	s4 =	simm.s32 $0x0;
	s6 =	smul.u32 $0xFFFFFF40, s5  }
0x6: {  	[smem:$0x7FF] =	sst s4;
	s2 =	ssub.s32 $0x2, s2;
	s5 =	smul.u32 $0xC00, s5  }
0x7: {  	s10 =	sadd.s32 $0xC000, s0;
	_ =	strace $0x80000047;
	s7 =	sshrl.u32 s2, $0x1  }
0x8: {  	s2 =	ssub.s32 s2, s7;
	p0 =	slt.s32 s6, $0xFFFFE8D3;
	s11 =	sshrl.u32 s5, $0x3  }
0x9: {  	s31 =	smax.u32 s2, $0x1;
	s6 =	simm.s32 @!p0 $0xFFFFE8D3;
	s7 =	sadd.s32 s10, s11  }
0xa: {  	s12 =	sadd.s32 $0x3000, s11;
	s13 =	sadd.s32 $0x6000, s11;
	s14 =	sadd.s32 $0x9000, s11  }
0xb: {  	s11 =	sadd.s32 s0, s11;
	[dreg:$0x8] =	wrdreg s31;
	s6 =	sadd.s32 $0x17ED, s6  }
.Ltmp0:
0xc: {  	s8 =	sadd.s32 s10, s12;
	s9 =	sadd.s32 s10, s13;
	(pc) =	sbr.rel .LBB2_1-.Ltmp0, $4  }
0xd: {  	s10 =	sadd.s32 s10, s14;
	[dreg:$0x4] =	wrdreg s11;
	s29 =	sadd.s32 s0, s12  }
0xe: {  	v2 =	vlaneseq.u32;
	s30 =	sadd.s32 s0, s13;
	s0 =	sadd.s32 s0, s14;
	[dreg:$0x5] =	wrdreg s29  }
0xf: {  	vm0 =	vmmov $0xffff;
	v1 =	vshrl.u32 v2, $0x3;
	s11 =	simm.s32 $0x1;
	s12 =	simm.s32 $0xE000;
	[dreg:$0x6] =	wrdreg s30  }
0x10: {  	v0 =	vand.u32 $0x7, v2;
	v2 =	vor.u32 $0x8, v2;
	v1 =	vmul.u32 $0x8, v1;
	s13 =	simm.s32 $0x2;
	s14 =	simm.s32 $0xF000;
	[dreg:$0x7] =	wrdreg s0  }
.LBB2_27:
0x11: {  	s0 =	simm.s32 $0x3  }
0x12: {  	_ =	swait.ge [sflag:s0], $0x1000  }
0x13: {  	[sflag:s0] =	ssyncset.done $0x0  }
0x14: {  	s2 =	simm.s32 $0x4;
	[sflag:s0] =	ssyncadd.s32 $0xFFFFF000  }
0x15: {  	_ =	swait.ge [sflag:s2], $0x1000  }
0x16: {  	s15 =	rddreg [dreg:$0x9]  }
0x17: {  	s31 =	rddreg [dreg:$0x8];
	s15 =	sadd.s32 $0x1, s15  }
0x18: {  	p0 =	sne.s32 s15, s31  }
.Ltmp1:
0x19: {  	_ = 	snop;
	(pc) =	sbr.rel @!p0 .LBB2_28-.Ltmp1, $3  }
0x1a: {  	_ =	sdelay $0x1  }
0x1b: {  	[sflag:s2] =	ssyncset.done $0x0  }
0x1c: {  	[sflag:s2] =	ssyncadd.s32 $0xFFFFF000  }
.LBB2_1:
0x1d: {  	s0 =	simm.s32 $0x10  }
0x1e: {  	s18 =	sadd.s32 $0x0, s7;
	s2 =	simm.s32 $0x200;
	s17 =	simm.s32 $0x0  }
.LBB2_2:
0x1f: {  	[tilespmem:s17], [sflag:$0x5] =	stream.linear.gather [hbm4b:s18+s4], $0x80, $0x38;
	[tilespmem:$0x10000] =	vst v63  }
0x20: {  	s18 =	smov.u32 s0;
	s17 =	smov.u32 s2;
	p0 =	sne.s32 s0, $0x170  }
.Ltmp2:
0x21: {  	s0 =	sadd.s32 $0x10, s0;
	(pc) =	sbr.rel @p0 .LBB2_2-.Ltmp2, $2  }
0x22: {  	_ =	sdelay $0x2  }
0x23: {  	s2 =	sadd.s32 $0x200, s2;
	s18 =	sadd.s32 s18, s7  }
0x24: {  	[tilespmem:s17], [sflag:$0x5] =	stream.linear.gather [hbm4b:s18+s4], $0x80, $0x38;
	[tilespmem:$0x10000] =	vst v63  }
0x25: {  	_ =	swait.ge [sflag:s16], $0xC00  }
0x26: {  	s0 =	simm.s32 $0x80;
	s2 =	simm.s32 $0x10;
	[sflag:s16] =	ssyncset.done $0x0  }
0x27: {  	s18 =	sadd.s32 $0x0, s8;
	s17 =	simm.s32 $0x280;
	[sflag:s16] =	ssyncadd.s32 $0xFFFFF400  }
.LBB2_4:
0x28: {  	[tilespmem:s0], [sflag:$0x5] =	stream.linear.gather [hbm4b:s18+s4], $0x80, $0x38;
	[tilespmem:$0x10000] =	vst v63  }
0x29: {  	s18 =	smov.u32 s2;
	s0 =	smov.u32 s17;
	p0 =	sne.s32 s2, $0x170  }
.Ltmp3:
0x2a: {  	s2 =	sadd.s32 $0x10, s2;
	(pc) =	sbr.rel @p0 .LBB2_4-.Ltmp3, $2  }
0x2b: {  	_ =	sdelay $0x2  }
0x2c: {  	s17 =	sadd.s32 $0x200, s17;
	s18 =	sadd.s32 s18, s8  }
0x2d: {  	[tilespmem:s0], [sflag:$0x5] =	stream.linear.gather [hbm4b:s18+s4], $0x80, $0x38;
	[tilespmem:$0x10000] =	vst v63  }
0x2e: {  	_ =	swait.ge [sflag:s16], $0xC00  }
0x2f: {  	s0 =	simm.s32 $0x100;
	s2 =	simm.s32 $0x10;
	[sflag:s16] =	ssyncset.done $0x0  }
0x30: {  	s18 =	sadd.s32 $0x0, s9;
	s17 =	simm.s32 $0x300;
	[sflag:s16] =	ssyncadd.s32 $0xFFFFF400  }
.LBB2_6:
0x31: {  	[tilespmem:s0], [sflag:$0x5] =	stream.linear.gather [hbm4b:s18+s4], $0x80, $0x38;
	[tilespmem:$0x10000] =	vst v63  }
0x32: {  	s18 =	smov.u32 s2;
	s0 =	smov.u32 s17;
	p0 =	sne.s32 s2, $0x170  }
.Ltmp4:
0x33: {  	s2 =	sadd.s32 $0x10, s2;
	(pc) =	sbr.rel @p0 .LBB2_6-.Ltmp4, $2  }
0x34: {  	_ =	sdelay $0x2  }
0x35: {  	s17 =	sadd.s32 $0x200, s17;
	s18 =	sadd.s32 s18, s9  }
0x36: {  	[dreg:$0x9] =	wrdreg s15  }
0x37: {  	[tilespmem:s0], [sflag:$0x5] =	stream.linear.gather [hbm4b:s18+s4], $0x80, $0x38;
	[tilespmem:$0x10000] =	vst v63  }
0x38: {  	_ =	swait.ge [sflag:s16], $0xC00  }
0x39: {  	s0 =	simm.s32 $0x180;
	s2 =	simm.s32 $0x10;
	[sflag:s16] =	ssyncset.done $0x0  }
0x3a: {  	s18 =	sadd.s32 $0x0, s10;
	s17 =	simm.s32 $0x380;
	[sflag:s16] =	ssyncadd.s32 $0xFFFFF400  }
.LBB2_8:
0x3b: {  	[tilespmem:s0], [sflag:$0x5] =	stream.linear.gather [hbm4b:s18+s4], $0x80, $0x38;
	[tilespmem:$0x10000] =	vst v63  }
0x3c: {  	s18 =	smov.u32 s2;
	s0 =	smov.u32 s17;
	p0 =	sne.s32 s2, $0x170  }
.Ltmp5:
0x3d: {  	s2 =	sadd.s32 $0x10, s2;
	(pc) =	sbr.rel @p0 .LBB2_8-.Ltmp5, $2  }
0x3e: {  	_ =	sdelay $0x2  }
0x3f: {  	s17 =	sadd.s32 $0x200, s17;
	s18 =	sadd.s32 s18, s10  }
0x40: {  	[tilespmem:s0], [sflag:$0x5] =	stream.linear.gather [hbm4b:s18+s4], $0x80, $0x38;
	[tilespmem:$0x10000] =	vst v63  }
0x41: {  	_ =	swait.ge [sflag:s16], $0xC00  }
0x42: {  	s30 =	simm.s32 $0x0;
	[sflag:s16] =	ssyncset.done $0x0  }
0x43: {  	s2 =	simm.s32 $0x3000;
	s31 =	rddreg [dreg:$0x4];
	[sflag:s16] =	ssyncadd.s32 $0xFFFFF400  }
0x44: {  	[tilespmem:s2], [sflag:$0x5] =	stream.linear.gather [hbm4b:s31+s30], $0xC00, $0x38;
	[tilespmem:$0x10000] =	vst v63  }
0x45: {  	_ =	swait.ge [sflag:s16], $0xC00  }
0x46: {  	[sflag:s16] =	ssyncset.done $0x0  }
0x47: {  	s17 =	simm.s32 $0x3C00;
	s15 =	rddreg [dreg:$0x5];
	[sflag:s16] =	ssyncadd.s32 $0xFFFFF400  }
0x48: {  	[tilespmem:s17], [sflag:$0x5] =	stream.linear.gather [hbm4b:s15+s30], $0xC00, $0x38;
	[tilespmem:$0x10000] =	vst v63  }
0x49: {  	_ =	swait.ge [sflag:s16], $0xC00  }
0x4a: {  	[sflag:s16] =	ssyncset.done $0x0  }
0x4b: {  	s19 =	simm.s32 $0x4800;
	s18 =	rddreg [dreg:$0x6];
	[sflag:s16] =	ssyncadd.s32 $0xFFFFF400  }
0x4c: {  	[tilespmem:s19], [sflag:$0x5] =	stream.linear.gather [hbm4b:s18+s30], $0xC00, $0x38;
	[tilespmem:$0x10000] =	vst v63  }
0x4d: {  	_ =	swait.ge [sflag:s16], $0xC00  }
0x4e: {  	[sflag:s16] =	ssyncset.done $0x0  }
0x4f: {  	s21 =	simm.s32 $0x5400;
	s20 =	rddreg [dreg:$0x7];
	[sflag:s16] =	ssyncadd.s32 $0xFFFFF400  }
0x50: {  	[tilespmem:s21], [sflag:$0x5] =	stream.linear.gather [hbm4b:s20+s30], $0xC00, $0x38;
	[tilespmem:$0x10000] =	vst v63  }
0x51: {  	_ =	swait.ge [sflag:s16], $0xC00  }
0x52: {  	[sflag:s16] =	ssyncset.done $0x0  }
0x53: {  	[sflag:s16] =	ssyncadd.s32 $0xFFFFF400  }
0x54: {  	v3 =	vld [tilespmem:$0x0];
	_ =	sdelay $0x4  }
0x55: {  	v4 =	vshll.u32 v3, $0x1  }
0x56: {  	v3 =	vand.u32 $0x7, v3;
	v4 =	vand.u32 $0xFFFFFFF0, v4  }
0x57: {  	v3 =	vor.u32 v3, v4  }
0x58: {  	v4 =	vperm.xlane v3, v0;
	_ =	sdelay $0x1  }
0x59: {  	v3 =	vperm.xlane v3, v2;
	v4 =	vadd.s32 v1, v4;
	_ =	sdelay $0x1  }
0x5a: {  	v3 =	vadd.s32 v1, v3;
	_ =	sdelay $0x1  }
0x5b: {  	s22 =	simm.s32 $0x6000  }
0x5c: {  	[tilespmem:s22], [sflag:$0x1] =	stream.indirect_vreg.gather [hbm4b:s1+s30], $0x80, v4, vm0, $0xb8;
	[tilespmem:$0x10000] =	vst v63  }
0x5d: {  	s23 =	simm.s32 $0x6800  }
0x5e: {  	[tilespmem:s23], [sflag:$0x1] =	stream.indirect_vreg.gather [hbm4b:s1+s30], $0x80, v3, vm0, $0xb8;
	[tilespmem:$0x10000] =	vst v63  }
0x5f: {  	v3 =	vld [tilespmem:$0x80];
	_ =	sdelay $0x4  }
0x60: {  	v61 =	vshll.u32 v3, $0x1  }
0x61: {  	v3 =	vand.u32 $0x7, v3;
	v4 =	vand.u32 $0xFFFFFFF0, v61  }
0x62: {  	v3 =	vor.u32 v3, v4  }
0x63: {  	v4 =	vperm.xlane v3, v0;
	_ =	sdelay $0x1  }
0x64: {  	v3 =	vperm.xlane v3, v2;
	v4 =	vadd.s32 v1, v4;
	_ =	sdelay $0x1  }
0x65: {  	v3 =	vadd.s32 v1, v3;
	_ =	sdelay $0x1  }
0x66: {  	s24 =	simm.s32 $0x7000  }
0x67: {  	[tilespmem:s24], [sflag:$0x1] =	stream.indirect_vreg.gather [hbm4b:s1+s30], $0x80, v4, vm0, $0xb8;
	[tilespmem:$0x10000] =	vst v63  }
0x68: {  	s25 =	simm.s32 $0x7800  }
0x69: {  	[tilespmem:s25], [sflag:$0x1] =	stream.indirect_vreg.gather [hbm4b:s1+s30], $0x80, v3, vm0, $0xb8;
	[tilespmem:$0x10000] =	vst v63  }
0x6a: {  	v3 =	vld [tilespmem:$0x100];
	_ =	sdelay $0x4  }
0x6b: {  	v62 =	vshll.u32 v3, $0x1  }
0x6c: {  	v3 =	vand.u32 $0x7, v3;
	v4 =	vand.u32 $0xFFFFFFF0, v62  }
0x6d: {  	v3 =	vor.u32 v3, v4  }
0x6e: {  	v4 =	vperm.xlane v3, v0;
	_ =	sdelay $0x1  }
0x6f: {  	v3 =	vperm.xlane v3, v2;
	v4 =	vadd.s32 v1, v4;
	_ =	sdelay $0x1  }
0x70: {  	v3 =	vadd.s32 v1, v3;
	_ =	sdelay $0x1  }
0x71: {  	s26 =	simm.s32 $0x8000  }
0x72: {  	[tilespmem:s26], [sflag:$0x1] =	stream.indirect_vreg.gather [hbm4b:s1+s30], $0x80, v4, vm0, $0xb8;
	[tilespmem:$0x10000] =	vst v63  }
0x73: {  	s28 =	simm.s32 $0x8800  }
0x74: {  	[tilespmem:s28], [sflag:$0x1] =	stream.indirect_vreg.gather [hbm4b:s1+s30], $0x80, v3, vm0, $0xb8;
	[tilespmem:$0x10000] =	vst v63  }
0x75: {  	v3 =	vld [tilespmem:$0x180];
	_ =	sdelay $0x4  }
0x76: {  	v63 =	vshll.u32 v3, $0x1  }
0x77: {  	v3 =	vand.u32 $0x7, v3;
	v4 =	vand.u32 $0xFFFFFFF0, v63  }
0x78: {  	v3 =	vor.u32 v3, v4  }
0x79: {  	v4 =	vperm.xlane v3, v0;
	_ =	sdelay $0x1  }
0x7a: {  	v3 =	vperm.xlane v3, v2;
	v4 =	vadd.s32 v1, v4;
	_ =	sdelay $0x1  }
0x7b: {  	v3 =	vadd.s32 v1, v3  }
.Ltmp6:
0x7c: {  	_ = 	snop;
	(pc) =	sbr.rel .LBB2_10-.Ltmp6, $4  }
0x7d: {  	s29 =	simm.s32 $0x9000  }
0x7e: {  	[tilespmem:s29], [sflag:$0x1] =	stream.indirect_vreg.gather [hbm4b:s1+s30], $0x80, v4, vm0, $0xb8;
	[tilespmem:$0x10000] =	vst v63  }
0x7f: {  	s31 =	simm.s32 $0x9800  }
0x80: {  	[tilespmem:s31], [sflag:$0x1] =	stream.indirect_vreg.gather [hbm4b:s1+s30], $0x80, v3, vm0, $0xb8;
	[tilespmem:$0x10000] =	vst v63  }
.LBB2_26:
0x81: {  	s30 =	sadd.s32 $0x1, s30  }
0x82: {  	p0 =	sne.s32 s30, $0x60  }
.Ltmp7:
0x83: {  	_ = 	snop;
	(pc) =	sbr.rel @!p0 .LBB2_27-.Ltmp7, $1  }
0x84: {  	_ =	sdelay $0x3  }
.LBB2_10:
0x85: {  	s2 =	sshll.u32 s30, $0x1  }
0x86: {  	p1 =	sge.u32 s2, s6  }
.Ltmp8:
0x87: {  	_ = 	snop;
	(pc) =	sbr.rel @p1 .LBB2_18-.Ltmp8, $3  }
0x88: {  	_ =	sdelay $0x1  }
0x89: {  	s31 =	sshllo.u32 s30, $0x1  }
0x8a: {  	p0 =	sge.u32 s31, s6  }
.Ltmp9:
0x8b: {  	(pc) =	sbr.rel @p0 .LBB2_13-.Ltmp9, $1  }
0x8c: {  	_ =	sdelay $0x3  }
0x8d: {  	s0 =	sshll.u32 s31, $0x4;
	s17 =	sshll.u32 s30, $0x7  }
0x8e: {  	s0 =	sand.u32 $0x70, s0;
	s18 =	sand.u32 $0x3E00, s17  }
0x8f: {  	s18 =	sor.u32 s0, s18  }
0x90: {  	v3 =	vld [tilespmem:s18+$0x0];
	_ =	sdelay $0x4  }
0x91: {  	v4 =	vshll.u32 v3, $0x1  }
0x92: {  	v3 =	vand.u32 $0x7, v3;
	v4 =	vand.u32 $0xFFFFFFF0, v4  }
0x93: {  	v3 =	vor.u32 v3, v4  }
0x94: {  	v4 =	vperm.xlane v3, v0;
	_ =	sdelay $0x1  }
0x95: {  	v3 =	vperm.xlane v3, v2;
	v4 =	vadd.s32 v1, v4;
	_ =	sdelay $0x1  }
0x96: {  	v3 =	vadd.s32 v1, v3;
	_ =	sdelay $0x1  }
0x97: {  	s15 =	simm.s32 $0xA000  }
0x98: {  	[tilespmem:s15], [sflag:$0x2] =	stream.indirect_vreg.gather [hbm4b:s1+s4], $0x80, v4, vm0, $0xb8;
	[tilespmem:$0x10000] =	vst v63  }
0x99: {  	s22 =	simm.s32 $0xA800  }
0x9a: {  	[tilespmem:s22], [sflag:$0x2] =	stream.indirect_vreg.gather [hbm4b:s1+s4], $0x80, v3, vm0, $0xb8;
	[tilespmem:$0x10000] =	vst v63  }
0x9b: {  	v3 =	vld [tilespmem:s18+$0x80];
	_ =	sdelay $0x4  }
0x9c: {  	v61 =	vshll.u32 v3, $0x1  }
0x9d: {  	v3 =	vand.u32 $0x7, v3;
	v4 =	vand.u32 $0xFFFFFFF0, v61  }
0x9e: {  	v3 =	vor.u32 v3, v4  }
0x9f: {  	v4 =	vperm.xlane v3, v0;
	_ =	sdelay $0x1  }
0xa0: {  	v3 =	vperm.xlane v3, v2;
	v4 =	vadd.s32 v1, v4;
	_ =	sdelay $0x1  }
0xa1: {  	v3 =	vadd.s32 v1, v3;
	_ =	sdelay $0x1  }
0xa2: {  	s23 =	simm.s32 $0xB000  }
0xa3: {  	[tilespmem:s23], [sflag:$0x2] =	stream.indirect_vreg.gather [hbm4b:s1+s4], $0x80, v4, vm0, $0xb8;
	[tilespmem:$0x10000] =	vst v63  }
0xa4: {  	s24 =	simm.s32 $0xB800  }
0xa5: {  	[tilespmem:s24], [sflag:$0x2] =	stream.indirect_vreg.gather [hbm4b:s1+s4], $0x80, v3, vm0, $0xb8;
	[tilespmem:$0x10000] =	vst v63  }
0xa6: {  	v3 =	vld [tilespmem:s18+$0x100];
	_ =	sdelay $0x4  }
0xa7: {  	v62 =	vshll.u32 v3, $0x1  }
0xa8: {  	v3 =	vand.u32 $0x7, v3;
	v4 =	vand.u32 $0xFFFFFFF0, v62  }
0xa9: {  	v3 =	vor.u32 v3, v4  }
0xaa: {  	v4 =	vperm.xlane v3, v0;
	_ =	sdelay $0x1  }
0xab: {  	v3 =	vperm.xlane v3, v2;
	v4 =	vadd.s32 v1, v4;
	_ =	sdelay $0x1  }
0xac: {  	v3 =	vadd.s32 v1, v3;
	_ =	sdelay $0x1  }
0xad: {  	s25 =	simm.s32 $0xC000;
	s0 =	sor.u32 s0, s17  }
0xae: {  	[tilespmem:s25], [sflag:$0x2] =	stream.indirect_vreg.gather [hbm4b:s1+s4], $0x80, v4, vm0, $0xb8;
	[tilespmem:$0x10000] =	vst v63  }
0xaf: {  	s26 =	simm.s32 $0xC800;
	s0 =	sor.u32 $0x180, s0  }
0xb0: {  	[tilespmem:s26], [sflag:$0x2] =	stream.indirect_vreg.gather [hbm4b:s1+s4], $0x80, v3, vm0, $0xb8;
	[tilespmem:$0x10000] =	vst v63  }
0xb1: {  	v3 =	vld [tilespmem:s0+$0x0];
	_ =	sdelay $0x4  }
0xb2: {  	v63 =	vshll.u32 v3, $0x1  }
0xb3: {  	v3 =	vand.u32 $0x7, v3;
	v4 =	vand.u32 $0xFFFFFFF0, v63  }
0xb4: {  	v3 =	vor.u32 v3, v4  }
0xb5: {  	v4 =	vperm.xlane v3, v0;
	_ =	sdelay $0x1  }
0xb6: {  	v3 =	vperm.xlane v3, v2;
	v4 =	vadd.s32 v1, v4;
	_ =	sdelay $0x1  }
0xb7: {  	v3 =	vadd.s32 v1, v3;
	_ =	sdelay $0x1  }
0xb8: {  	s28 =	simm.s32 $0xD000  }
0xb9: {  	[tilespmem:s28], [sflag:$0x2] =	stream.indirect_vreg.gather [hbm4b:s1+s4], $0x80, v4, vm0, $0xb8;
	[tilespmem:$0x10000] =	vst v63  }
0xba: {  	s29 =	simm.s32 $0xD800  }
0xbb: {  	[tilespmem:s29], [sflag:$0x2] =	stream.indirect_vreg.gather [hbm4b:s1+s4], $0x80, v3, vm0, $0xb8;
	[tilespmem:$0x10000] =	vst v63  }
.LBB2_13:
0xbc: {  	_ =	swait.ge [sflag:s11], $0x1000  }
0xbd: {  	[sflag:s11] =	ssyncset.done $0x0  }
0xbe: {  	[sflag:s11] =	ssyncadd.s32 $0xFFFFF000  }
0xbf: {  	_ =	swait.ge [sflag:s11], $0x1000  }
0xc0: {  	[sflag:s11] =	ssyncset.done $0x0  }
0xc1: {  	[sflag:s11] =	ssyncadd.s32 $0xFFFFF000  }
0xc2: {  	_ =	swait.ge [sflag:s11], $0x1000  }
0xc3: {  	[sflag:s11] =	ssyncset.done $0x0  }
0xc4: {  	[sflag:s11] =	ssyncadd.s32 $0xFFFFF000  }
0xc5: {  	_ =	swait.ge [sflag:s11], $0x1000  }
0xc6: {  	p1 =	seq.s32 s30, $0x0;
	[sflag:s11] =	ssyncset.done $0x0  }
0xc7: {  	s0 =	simm.s32 @!p1 $0x3;
	[sflag:s11] =	ssyncadd.s32 $0xFFFFF000  }
0xc8: {  	_ =	swait.ge @!p1 [sflag:s0], $0x1000  }
0xc9: {  	[sflag:s0] =	ssyncset.done @!p1 $0x0  }
0xca: {  	[sflag:s0] =	ssyncadd.s32 @!p1 $0xFFFFF000;
	s0 =	sshll.u32 s30, $0x5  }
0xcb: {  	v3 =	vld [tilespmem:s0+$0x3000];
	s17 =	sand.u32 $0xFE0, s0  }
0xcc: {  	v4 =	vld [tilespmem:s17+$0x3C00]  }
0xcd: {  	v5 =	vld [tilespmem:s17+$0x4800]  }
0xce: {  	s18 =	simm.s32 $0x0;
	v6 =	vld [tilespmem:s17+$0x5400];
	s17 =	simm.s32 $0x0  }
.LBB2_14:
0xcf: {  	s19 =	sshll.u32 s18, $0x8;
	s20 =	sshll.u32 s18, $0x7  }
0xd0: {  	s19 =	sand.u32 $0x800, s19;
	s20 =	sand.u32 $0x380, s20  }
0xd1: {  	s24 =	sand.u32 $0x400, s17;
	s20 =	sor.u32 s20, s19  }
0xd2: {  	s25 =	sand.u32 $0x70, s17;
	s19 =	sor.u32 $0x7000, s20;
	s21 =	sor.u32 s24, s20  }
0xd3: {  	s21 =	sor.u32 s25, s21;
	s23 =	sadd.s32 s24, s19  }
0xd4: {  	v7 =	vmov s18;
	s22 =	sor.u32 $0x8000, s20;
	v10 =	vld [tilespmem:s21+$0x6000];
	s23 =	sadd.s32 s25, s23  }
0xd5: {  	v7 =	vand.u32 $0xF, v7;
	s26 =	sadd.s32 s24, s22;
	v11 =	vld [tilespmem:s23+$0x0]  }
0xd6: {  	v12 =	vbroadcast v7, $0x0;
	s26 =	sadd.s32 s25, s26;
	s23 =	sor.u32 $0x9000, s20  }
0xd7: {  	v13 =	vld [tilespmem:s26+$0x0];
	s24 =	sadd.s32 s24, s23  }
0xd8: {  	v7 =	vperm.xlane v3, v12;
	v8 =	vperm.xlane v4, v12;
	s24 =	sadd.s32 s25, s24  }
0xd9: {  	v9 =	vperm.xlane v5, v12;
	v14 =	vld [tilespmem:s24+$0x0]  }
0xda: {  	v15 =	vmul.f32 v10, v7;
	v11 =	vmul.f32 v11, v8;
	_ =	sdelay $0x1  }
0xdb: {  	v10 =	vperm.xlane v6, v12;
	v62 =	vmul.f32 v13, v9;
	v11 =	vadd.f32 v11, v15;
	_ =	sdelay $0x1  }
0xdc: {  	s24 =	simm.s32 $0x80;
	v63 =	vmul.f32 v14, v10;
	v11 =	vadd.f32 v62, v11  }
0xdd: {  	s26 =	simm.s32 $0x10;
	s28 =	sand.u32 $0x400, s24  }
0xde: {  	s26 =	sand.u32 $0x70, s26;
	s25 =	simm.s32 $0x20;
	s29 =	sor.u32 s28, s20;
	v11 =	vadd.f32 v63, v11  }
.LBB2_15:
0xdf: {  	p1 =	sne.s32 s25, $0xF0;
	s29 =	sor.u32 s26, s29;
	s15 =	sadd.s32 s28, s19  }
0xe0: {  	v12 =	vld [tilespmem:s29+$0x6000];
	s15 =	sadd.s32 s26, s15;
	[tilespmem:s21+$0xE000] =	vst v11;
	s21 =	smov.u32 s29  }
0xe1: {  	v11 =	vld [tilespmem:s15+$0x0];
	s15 =	sadd.s32 s28, s22  }
0xe2: {  	s15 =	sadd.s32 s26, s15  }
0xe3: {  	v13 =	vld [tilespmem:s15+$0x0];
	s15 =	sadd.s32 s28, s23  }
0xe4: {  	s15 =	sadd.s32 s26, s15  }
0xe5: {  	v14 =	vld [tilespmem:s15+$0x0]  }
0xe6: {  	v12 =	vmul.f32 v12, v7;
	v11 =	vmul.f32 v11, v8;
	_ =	sdelay $0x1  }
.Ltmp10:
0xe7: {  	v11 =	vadd.f32 v11, v12;
	v12 =	vmul.f32 v13, v9;
	(pc) =	sbr.rel @p1 .LBB2_15-.Ltmp10, $4  }
0xe8: {  	_ = 	snop  }
0xe9: {  	s24 =	sadd.s32 $0x80, s24;
	v11 =	vadd.f32 v12, v11;
	v12 =	vmul.f32 v14, v10  }
0xea: {  	s28 =	sand.u32 $0x400, s24  }
0xeb: {  	s26 =	sand.u32 $0x70, s25;
	s29 =	sor.u32 s28, s20;
	s25 =	sadd.s32 $0x10, s25;
	v11 =	vadd.f32 v12, v11  }
0xec: {  	s15 =	sor.u32 s26, s29;
	s19 =	sadd.s32 s28, s19  }
0xed: {  	v12 =	vld [tilespmem:s15+$0x6000];
	s19 =	sadd.s32 s26, s19;
	[tilespmem:s21+$0xE000] =	vst v11  }
0xee: {  	s25 =	sadd.s32 s28, s22;
	v11 =	vld [tilespmem:s19+$0x0]  }
0xef: {  	s19 =	sadd.s32 s26, s25  }
0xf0: {  	s29 =	sadd.s32 s28, s23;
	v13 =	vld [tilespmem:s19+$0x0]  }
0xf1: {  	s19 =	sadd.s32 s26, s29  }
0xf2: {  	v14 =	vld [tilespmem:s19+$0x0]  }
0xf3: {  	v7 =	vmul.f32 v12, v7;
	v8 =	vmul.f32 v11, v8;
	_ =	sdelay $0x1  }
0xf4: {  	s18 =	sadd.s32 $0x1, s18;
	v7 =	vadd.f32 v8, v7;
	v8 =	vmul.f32 v13, v9  }
0xf5: {  	p1 =	sne.s32 s18, $0x10  }
.Ltmp11:
0xf6: {  	v7 =	vadd.f32 v8, v7;
	v8 =	vmul.f32 v14, v10;
	(pc) =	sbr.rel @p1 .LBB2_14-.Ltmp11, $3  }
0xf7: {  	_ = 	snop  }
0xf8: {  	v7 =	vadd.f32 v8, v7;
	_ =	sdelay $0x1  }
0xf9: {  	[tilespmem:s15+$0xE000] =	vst v7  }
0xfa: {  	s0 =	sadd.s32 s5, s0  }
0xfb: {  	s0 =	sshll.u32 s0, $0x5  }
0xfc: {  	s0 =	sadd.s32 s3, s0  }
0xfd: {  	[hbm4b:s0+s4] =	stream.linear.scatter [tilespmem:s12], [sflag:$0x3], $0x1000, $0x38;
	[tilespmem:$0x10000] =	vst v63  }
.LBB2_18:
.Ltmp12:
0xfe: {  	(pc) =	sbr.rel @p0 .LBB2_26-.Ltmp12, $1  }
0xff: {  	_ =	sdelay $0x3  }
0x100: {  	s0 =	sadd.s32 $0x2, s2  }
0x101: {  	p0 =	sge.u32 s0, s6  }
.Ltmp13:
0x102: {  	_ = 	snop;
	(pc) =	sbr.rel @p0 .LBB2_21-.Ltmp13, $1  }
0x103: {  	_ =	sdelay $0x3  }
0x104: {  	s2 =	sshll.u32 s0, $0x4;
	s21 =	sshll.u32 s0, $0x6  }
0x105: {  	s2 =	sand.u32 $0x60, s2;
	s15 =	sand.u32 $0x7E00, s21  }
0x106: {  	s15 =	sor.u32 s2, s15  }
0x107: {  	v3 =	vld [tilespmem:s15+$0x0];
	_ =	sdelay $0x4  }
0x108: {  	v4 =	vshll.u32 v3, $0x1  }
0x109: {  	v3 =	vand.u32 $0x7, v3;
	v4 =	vand.u32 $0xFFFFFFF0, v4  }
0x10a: {  	v3 =	vor.u32 v3, v4  }
0x10b: {  	v4 =	vperm.xlane v3, v0;
	_ =	sdelay $0x1  }
0x10c: {  	v3 =	vperm.xlane v3, v2;
	v4 =	vadd.s32 v1, v4;
	_ =	sdelay $0x1  }
0x10d: {  	v3 =	vadd.s32 v1, v3;
	_ =	sdelay $0x1  }
0x10e: {  	s17 =	simm.s32 $0x6000  }
0x10f: {  	[tilespmem:s17], [sflag:$0x1] =	stream.indirect_vreg.gather [hbm4b:s1+s4], $0x80, v4, vm0, $0xb8;
	[tilespmem:$0x10000] =	vst v63  }
0x110: {  	s22 =	simm.s32 $0x6800  }
0x111: {  	[tilespmem:s22], [sflag:$0x1] =	stream.indirect_vreg.gather [hbm4b:s1+s4], $0x80, v3, vm0, $0xb8;
	[tilespmem:$0x10000] =	vst v63  }
0x112: {  	v3 =	vld [tilespmem:s15+$0x80];
	_ =	sdelay $0x4  }
0x113: {  	v61 =	vshll.u32 v3, $0x1  }
0x114: {  	v3 =	vand.u32 $0x7, v3;
	v4 =	vand.u32 $0xFFFFFFF0, v61  }
0x115: {  	v3 =	vor.u32 v3, v4  }
0x116: {  	v4 =	vperm.xlane v3, v0;
	_ =	sdelay $0x1  }
0x117: {  	v3 =	vperm.xlane v3, v2;
	v4 =	vadd.s32 v1, v4;
	_ =	sdelay $0x1  }
0x118: {  	v3 =	vadd.s32 v1, v3;
	_ =	sdelay $0x1  }
0x119: {  	s23 =	simm.s32 $0x7000  }
0x11a: {  	[tilespmem:s23], [sflag:$0x1] =	stream.indirect_vreg.gather [hbm4b:s1+s4], $0x80, v4, vm0, $0xb8;
	[tilespmem:$0x10000] =	vst v63  }
0x11b: {  	s24 =	simm.s32 $0x7800  }
0x11c: {  	[tilespmem:s24], [sflag:$0x1] =	stream.indirect_vreg.gather [hbm4b:s1+s4], $0x80, v3, vm0, $0xb8;
	[tilespmem:$0x10000] =	vst v63  }
0x11d: {  	v3 =	vld [tilespmem:s15+$0x100];
	_ =	sdelay $0x4  }
0x11e: {  	v62 =	vshll.u32 v3, $0x1  }
0x11f: {  	v3 =	vand.u32 $0x7, v3;
	v4 =	vand.u32 $0xFFFFFFF0, v62  }
0x120: {  	v3 =	vor.u32 v3, v4  }
0x121: {  	v4 =	vperm.xlane v3, v0;
	_ =	sdelay $0x1  }
0x122: {  	v3 =	vperm.xlane v3, v2;
	v4 =	vadd.s32 v1, v4;
	_ =	sdelay $0x1  }
0x123: {  	v3 =	vadd.s32 v1, v3;
	_ =	sdelay $0x1  }
0x124: {  	s25 =	simm.s32 $0x8000;
	s0 =	sor.u32 s2, s21  }
0x125: {  	[tilespmem:s25], [sflag:$0x1] =	stream.indirect_vreg.gather [hbm4b:s1+s4], $0x80, v4, vm0, $0xb8;
	[tilespmem:$0x10000] =	vst v63  }
0x126: {  	s26 =	simm.s32 $0x8800;
	s0 =	sor.u32 $0x180, s0  }
0x127: {  	[tilespmem:s26], [sflag:$0x1] =	stream.indirect_vreg.gather [hbm4b:s1+s4], $0x80, v3, vm0, $0xb8;
	[tilespmem:$0x10000] =	vst v63  }
0x128: {  	v3 =	vld [tilespmem:s0+$0x0];
	_ =	sdelay $0x4  }
0x129: {  	v63 =	vshll.u32 v3, $0x1  }
0x12a: {  	v3 =	vand.u32 $0x7, v3;
	v4 =	vand.u32 $0xFFFFFFF0, v63  }
0x12b: {  	v3 =	vor.u32 v3, v4  }
0x12c: {  	v4 =	vperm.xlane v3, v0;
	_ =	sdelay $0x1  }
0x12d: {  	v3 =	vperm.xlane v3, v2;
	v4 =	vadd.s32 v1, v4;
	_ =	sdelay $0x1  }
0x12e: {  	v3 =	vadd.s32 v1, v3;
	_ =	sdelay $0x1  }
0x12f: {  	s28 =	simm.s32 $0x9000  }
0x130: {  	[tilespmem:s28], [sflag:$0x1] =	stream.indirect_vreg.gather [hbm4b:s1+s4], $0x80, v4, vm0, $0xb8;
	[tilespmem:$0x10000] =	vst v63  }
0x131: {  	s29 =	simm.s32 $0x9800  }
0x132: {  	[tilespmem:s29], [sflag:$0x1] =	stream.indirect_vreg.gather [hbm4b:s1+s4], $0x80, v3, vm0, $0xb8;
	[tilespmem:$0x10000] =	vst v63  }
.LBB2_21:
0x133: {  	_ =	swait.ge [sflag:s13], $0x1000  }
0x134: {  	[sflag:s13] =	ssyncset.done $0x0  }
0x135: {  	[sflag:s13] =	ssyncadd.s32 $0xFFFFF000  }
0x136: {  	_ =	swait.ge [sflag:s13], $0x1000  }
0x137: {  	[sflag:s13] =	ssyncset.done $0x0  }
0x138: {  	[sflag:s13] =	ssyncadd.s32 $0xFFFFF000  }
0x139: {  	_ =	swait.ge [sflag:s13], $0x1000  }
0x13a: {  	[sflag:s13] =	ssyncset.done $0x0  }
0x13b: {  	[sflag:s13] =	ssyncadd.s32 $0xFFFFF000  }
0x13c: {  	_ =	swait.ge [sflag:s13], $0x1000  }
0x13d: {  	p0 =	seq.s32 s30, $0x0;
	[sflag:s13] =	ssyncset.done $0x0  }
0x13e: {  	s0 =	simm.s32 @!p0 $0x4;
	[sflag:s13] =	ssyncadd.s32 $0xFFFFF000  }
0x13f: {  	_ =	swait.ge @!p0 [sflag:s0], $0x1000  }
0x140: {  	[sflag:s0] =	ssyncset.done @!p0 $0x0  }
0x141: {  	[sflag:s0] =	ssyncadd.s32 @!p0 $0xFFFFF000;
	s0 =	sshll.u32 s31, $0x4  }
0x142: {  	v3 =	vld [tilespmem:s0+$0x3000];
	s2 =	sand.u32 $0xFF0, s0  }
0x143: {  	v4 =	vld [tilespmem:s2+$0x3C00]  }
0x144: {  	v5 =	vld [tilespmem:s2+$0x4800]  }
0x145: {  	s17 =	simm.s32 $0x0;
	v6 =	vld [tilespmem:s2+$0x5400];
	s2 =	simm.s32 $0x0  }
.LBB2_22:
0x146: {  	s15 =	sshll.u32 s17, $0x8;
	s18 =	sshll.u32 s17, $0x7  }
0x147: {  	s15 =	sand.u32 $0x800, s15;
	s18 =	sand.u32 $0x380, s18  }
0x148: {  	s29 =	sand.u32 $0x400, s2;
	s19 =	sor.u32 s18, s15  }
0x149: {  	s23 =	sand.u32 $0x70, s2;
	s18 =	sor.u32 $0xB000, s19;
	s20 =	sor.u32 s29, s19  }
0x14a: {  	s20 =	sor.u32 s23, s20;
	s22 =	sadd.s32 s29, s18  }
0x14b: {  	v7 =	vmov s17;
	s21 =	sor.u32 $0xC000, s19;
	v10 =	vld [tilespmem:s20+$0xA000];
	s22 =	sadd.s32 s23, s22  }
0x14c: {  	v7 =	vand.u32 $0xF, v7;
	s24 =	sadd.s32 s29, s21;
	v11 =	vld [tilespmem:s22+$0x0]  }
0x14d: {  	v12 =	vbroadcast v7, $0x0;
	s24 =	sadd.s32 s23, s24;
	s22 =	sor.u32 $0xD000, s19  }
0x14e: {  	v13 =	vld [tilespmem:s24+$0x0];
	s15 =	sadd.s32 s29, s22  }
0x14f: {  	v7 =	vperm.xlane v3, v12;
	v8 =	vperm.xlane v4, v12;
	s15 =	sadd.s32 s23, s15  }
0x150: {  	v9 =	vperm.xlane v5, v12;
	v14 =	vld [tilespmem:s15+$0x0]  }
0x151: {  	v15 =	vmul.f32 v10, v7;
	v11 =	vmul.f32 v11, v8;
	_ =	sdelay $0x1  }
0x152: {  	v10 =	vperm.xlane v6, v12;
	v62 =	vmul.f32 v13, v9;
	v11 =	vadd.f32 v11, v15;
	_ =	sdelay $0x1  }
0x153: {  	s23 =	simm.s32 $0x80;
	v63 =	vmul.f32 v14, v10;
	v11 =	vadd.f32 v62, v11  }
0x154: {  	s31 =	simm.s32 $0x10;
	s26 =	sand.u32 $0x400, s23  }
0x155: {  	s25 =	sand.u32 $0x70, s31;
	s24 =	simm.s32 $0x20;
	s28 =	sor.u32 s26, s19;
	v11 =	vadd.f32 v63, v11  }
.LBB2_23:
0x156: {  	p0 =	sne.s32 s24, $0xF0;
	s15 =	sor.u32 s25, s28;
	s28 =	sadd.s32 s26, s18  }
0x157: {  	v12 =	vld [tilespmem:s15+$0xA000];
	s28 =	sadd.s32 s25, s28;
	[tilespmem:s20+$0xF000] =	vst v11;
	s20 =	smov.u32 s15  }
0x158: {  	s15 =	sadd.s32 s26, s21;
	v11 =	vld [tilespmem:s28+$0x0]  }
0x159: {  	s15 =	sadd.s32 s25, s15  }
0x15a: {  	v13 =	vld [tilespmem:s15+$0x0];
	s15 =	sadd.s32 s26, s22  }
0x15b: {  	s15 =	sadd.s32 s25, s15  }
0x15c: {  	v14 =	vld [tilespmem:s15+$0x0]  }
0x15d: {  	v12 =	vmul.f32 v12, v7;
	v11 =	vmul.f32 v11, v8;
	_ =	sdelay $0x1  }
.Ltmp14:
0x15e: {  	v11 =	vadd.f32 v11, v12;
	v12 =	vmul.f32 v13, v9;
	(pc) =	sbr.rel @p0 .LBB2_23-.Ltmp14, $4  }
0x15f: {  	_ = 	snop  }
0x160: {  	s23 =	sadd.s32 $0x80, s23;
	v11 =	vadd.f32 v12, v11;
	v12 =	vmul.f32 v14, v10  }
0x161: {  	s26 =	sand.u32 $0x400, s23  }
0x162: {  	s25 =	sand.u32 $0x70, s24;
	s28 =	sor.u32 s26, s19;
	s24 =	sadd.s32 $0x10, s24;
	v11 =	vadd.f32 v12, v11  }
0x163: {  	s15 =	sor.u32 s25, s28;
	s18 =	sadd.s32 s26, s18  }
0x164: {  	v12 =	vld [tilespmem:s15+$0xA000];
	s18 =	sadd.s32 s25, s18;
	[tilespmem:s20+$0xF000] =	vst v11  }
0x165: {  	s29 =	sadd.s32 s26, s21;
	v11 =	vld [tilespmem:s18+$0x0]  }
0x166: {  	s18 =	sadd.s32 s25, s29  }
0x167: {  	s31 =	sadd.s32 s26, s22;
	v13 =	vld [tilespmem:s18+$0x0]  }
0x168: {  	s18 =	sadd.s32 s25, s31  }
0x169: {  	v14 =	vld [tilespmem:s18+$0x0]  }
0x16a: {  	v7 =	vmul.f32 v12, v7;
	v8 =	vmul.f32 v11, v8;
	_ =	sdelay $0x1  }
0x16b: {  	s17 =	sadd.s32 $0x1, s17;
	v7 =	vadd.f32 v8, v7;
	v8 =	vmul.f32 v13, v9  }
0x16c: {  	p0 =	sne.s32 s17, $0x10  }
.Ltmp15:
0x16d: {  	v7 =	vadd.f32 v8, v7;
	v8 =	vmul.f32 v14, v10;
	(pc) =	sbr.rel @p0 .LBB2_22-.Ltmp15, $3  }
0x16e: {  	_ = 	snop  }
0x16f: {  	v7 =	vadd.f32 v8, v7;
	_ =	sdelay $0x1  }
0x170: {  	[tilespmem:s15+$0xF000] =	vst v7  }
.Ltmp16:
0x171: {  	(pc) =	sbr.rel .LBB2_26-.Ltmp16, $4  }
0x172: {  	s0 =	sadd.s32 s5, s0  }
0x173: {  	s0 =	sshll.u32 s0, $0x5  }
0x174: {  	s0 =	sadd.s32 s3, s0  }
0x175: {  	[hbm4b:s0+s4] =	stream.linear.scatter [tilespmem:s14], [sflag:$0x4], $0x1000, $0x38;
	[tilespmem:$0x10000] =	vst v63  }
.LBB2_28:
0x176: {  	_ =	sfence.sel $0x180000  }
0x177: {  	[bflag:$0x0] =	sbarrier.arrive $0xFFFF  }
0x178: {  	_ =	strace $0x90000047  }
0x179: {  	s0 =	stileid.u32;
	[bflag:$0x2] =	sbarrier.arrive $0xFFFF  }
0x17a: {  	p0 =	sne.s32 s0, $0x0;
	s0 =	rddreg [dreg:$0x3]  }
0x17b: {  	s0 =	sadd.s32 @!p0 $0x100000, s0  }
0x17c: {  	[sflag:s0] =	ssyncadd.tile.s32 @!p0 $0x1;
	_ =	shalt  }
.Lfunc_end2:
_tile_overlayer_lowered:
.L_overlay_start_2:
0x17d: {  	(tag) =	ssettag $0x2  }
0x17e: {  	s0 =	rddreg [dreg:$0x0];
	s2 =	stileid.u32  }
0x17f: {  	s1 =	rddreg [dreg:$0x1];
	p0 =	sne.s32 s2, $0x0  }
0x180: {  	s3 =	rddreg [dreg:$0x2];
	[bflag:$0x3] =	sbarrier.arrive $0xFFFF;
	s2 =	simm.s32 @!p0 $0x1C05  }
0x181: {  	[timem:s3], [sflag:s2] =	dma.local @!p0 [hbm:s0], s1  }
0x182: {  	s0 =	simm.s32 @!p0 $0x5  }
0x183: {  	_ =	swait.ge @!p0 [sflag:s0], s1  }
0x184: {  	s1 =	ssub.s32 @!p0 $0x0, s1;
	[sflag:s0] =	ssyncset.done @!p0 $0x0  }
0x185: {  	[sflag:s0] =	ssyncadd.s32 @!p0 s1  }
0x186: {  	[bflag:$0x3] =	sbarrier.arrive $0xFFFF  }
0x187: {  	_ =	shalt  }

</sc_bundles>
